<compile_context>
chip_gen: v7x
topology: tpu7x:2x2x1
jax: 0.10.2.dev20260603
libtpu: 0.0.44.dev20260713+nightly
codegen_flags: <defaults>
</compile_context>

<pallas_src>
import jax
import jax.numpy as jnp
from jax import lax
from jax.experimental import pallas as pl
from jax.experimental.pallas import tpu as pltpu
from jax.experimental.pallas import tpu_sc as plsc

VOCAB = 10
DIM = 4
BATCH = 16384
NC = 2
NS = 16
L = 16
NW = NC * NS
B_PER_W = BATCH // NW

_EMB_OFF = 0
_FCW_OFF = 40
_FCB_OFF = 48


def _full(val):
    return jnp.full((L,), val, jnp.int32)


def _body(w1_hbm, w2_hbm, embf_hbm, fcw_hbm, fcb_hbm, out_hbm,
          w1_v, w2_v, out_v, params_v, tab_v, sem_idx, sem_par):
    wid = lax.axis_index("s") * NC + lax.axis_index("c")
    base = wid * B_PER_W

    c1 = pltpu.async_copy(w1_hbm.at[pl.ds(base, B_PER_W)], w1_v, sem_idx)
    c2 = pltpu.async_copy(w2_hbm.at[pl.ds(base, B_PER_W)], w2_v, sem_idx)
    c3 = pltpu.async_copy(embf_hbm, params_v.at[pl.ds(_EMB_OFF, VOCAB * DIM)],
                          sem_par)
    c4 = pltpu.async_copy(fcw_hbm, params_v.at[pl.ds(_FCW_OFF, 2 * DIM)],
                          sem_par)
    c5 = pltpu.async_copy(fcb_hbm, params_v.at[pl.ds(_FCB_OFF, 1)], sem_par)
    c3.wait()
    c4.wait()
    c5.wait()

    lanes = lax.iota(jnp.int32, L)
    vrow = jnp.minimum(lanes, VOCAB - 1)
    fcwb = params_v[pl.ds(_FCW_OFF, L)]
    s1 = jnp.take_along_axis(fcwb, _full(2 * DIM), axis=0)
    s2 = jnp.zeros((L,), jnp.float32)
    for d in range(DIM):
        col = plsc.load_gather(params_v, [vrow * DIM + d])
        wa = jnp.take_along_axis(fcwb, _full(d), axis=0)
        wb = jnp.take_along_axis(fcwb, _full(DIM + d), axis=0)
        s1 = s1 + col * wa
        s2 = s2 + col * wb
    s1n = -s1
    s2n = -s2

    for v1 in range(VOCAB):
        b1 = jnp.take_along_axis(s1n, _full(v1), axis=0)
        tab_v[pl.ds(v1 * L, L)] = 1.0 / (1.0 + jnp.exp(b1 + s2n))

    c1.wait()
    c2.wait()

    @plsc.parallel_loop(0, B_PER_W, step=L, unroll=8)
    def _hot(off):
        sl = pl.ds(off, L)
        idx = (w1_v[sl] << 4) + w2_v[sl]
        out_v[sl] = plsc.load_gather(tab_v, [idx])

    pltpu.sync_copy(out_v, out_hbm.at[pl.ds(base, B_PER_W)])


@jax.jit
def kernel(w1, w2, embedding, fc_w, fc_b):
    mesh = plsc.VectorSubcoreMesh(core_axis_name="c", subcore_axis_name="s",
                                  num_cores=NC, num_subcores=NS)
    run = pl.kernel(
        _body,
        out_type=jax.ShapeDtypeStruct((BATCH,), jnp.float32),
        mesh=mesh,
        scratch_types=[
            pltpu.VMEM((B_PER_W,), jnp.int32),
            pltpu.VMEM((B_PER_W,), jnp.int32),
            pltpu.VMEM((B_PER_W,), jnp.float32),
            pltpu.VMEM((128,), jnp.float32),
            pltpu.VMEM((VOCAB * L,), jnp.float32),
            pltpu.SemaphoreType.DMA,
            pltpu.SemaphoreType.DMA,
        ],
        compiler_params=pltpu.CompilerParams(needs_layout_passes=False),
        name="similarity_sc",
    )
    return run(w1, w2, embedding.reshape(-1), fc_w.reshape(-1), fc_b)

# --- scband reference (transcript-rebuilt; emitter-appended) ---
"""Pipeline reference for scband-similarity-model-31499290148926 (READ-ONLY COPY).

The authoritative reference and input builder live on the scoring server;
editing this copy changes nothing except your own understanding.
"""

import jax, jax.numpy as jnp
import numpy as np

VOCAB_SIZE = 10
EMBED_DIM = 4
BATCH = 16384

def setup_inputs(seed: int = 0) -> dict:
    key = jax.random.key(seed)
    k1, k2, k3, k4, k5 = jax.random.split(key, 5)
    w1 = jax.random.randint(k1, (BATCH,), 0, VOCAB_SIZE, dtype=jnp.int64 if jax.config.jax_enable_x64 else jnp.int32).astype(jnp.int32)
    w2 = jax.random.randint(k2, (BATCH,), 0, VOCAB_SIZE, dtype=jnp.int64 if jax.config.jax_enable_x64 else jnp.int32).astype(jnp.int32)
    embedding = jax.random.normal(k3, (VOCAB_SIZE, EMBED_DIM), dtype=jnp.float32)
    fc_w = jax.random.normal(k4, (1, EMBED_DIM * 2), dtype=jnp.float32) * 0.1
    fc_b = jax.random.normal(k5, (1,), dtype=jnp.float32) * 0.1
    return {"w1": w1, "w2": w2, "embedding": embedding, "fc_w": fc_w, "fc_b": fc_b}

def reference(w1, w2, embedding, fc_w, fc_b):
    # e1 = self.embedding(w1); e2 = self.embedding(w2)
    e1 = jnp.take(embedding, w1, axis=0)
    e2 = jnp.take(embedding, w2, axis=0)
    # x = torch.cat([e1, e2], dim=-1)
    x = jnp.concatenate([e1, e2], axis=-1)
    # sigmoid(fc(x)).squeeze()
    out = jax.nn.sigmoid(x @ fc_w.T + fc_b)
    return jnp.squeeze(out, axis=-1)

if __name__ == "__main__":
    import jax
    _d = setup_inputs()
    print(jax.jit(kernel)(*tuple(_d.values())))

</pallas_src>

<mosaic_0001>
#map = affine_map<(d0, d1) -> (0)>
module attributes {stable_mosaic.version = 14 : i64} {
  func.func @similarity_sc(%arg0: i32, %arg1: i32, %arg2: memref<16384xi32, #tpu.memory_space<hbm>>, %arg3: memref<16384xi32, #tpu.memory_space<hbm>>, %arg4: memref<40xf32, #tpu.memory_space<hbm>>, %arg5: memref<8xf32, #tpu.memory_space<hbm>>, %arg6: memref<1xf32, #tpu.memory_space<hbm>>, %arg7: memref<16384xf32, #tpu.memory_space<hbm>>, %arg8: memref<512xi32, #tpu.memory_space<vmem>>, %arg9: memref<512xi32, #tpu.memory_space<vmem>>, %arg10: memref<512xf32, #tpu.memory_space<vmem>>, %arg11: memref<128xf32, #tpu.memory_space<vmem>>, %arg12: memref<160xf32, #tpu.memory_space<vmem>>, %arg13: memref<!tpu.dma_semaphore, #tpu.memory_space<semaphore_mem>>, %arg14: memref<!tpu.dma_semaphore, #tpu.memory_space<semaphore_mem>>) attributes {dimension_semantics = [#tpu.dimension_semantics<core_parallel>, #tpu.dimension_semantics<subcore_parallel>], iteration_bounds = array<i64: 2, 16>, scalar_prefetch = 0 : i64, scratch_operands = 7 : i64, tpu.core_type = #tpu.core_type<sc_vector_subcore>, window_params = [{transform_indices = #map}, {transform_indices = #map}, {transform_indices = #map}, {transform_indices = #map}, {transform_indices = #map}, {transform_indices = #map}]} {
    %mul3A = arith.constant 2 : i32
    %mul3A_0 = arith.muli %arg1, %mul3A : i32
    %add3A = arith.addi %mul3A_0, %arg0 : i32
    %mul3A_1 = arith.constant 512 : i32
    %mul3A_2 = arith.muli %add3A, %mul3A_1 : i32
    %dma_start3A = tpu.memref_slice %arg2[%mul3A_2] : memref<16384xi32, #tpu.memory_space<hbm>> -> memref<512xi32, #tpu.memory_space<hbm>>
    %dma_start3A_3 = tpu.memref_slice %arg2[%mul3A_2] : memref<16384xi32, #tpu.memory_space<hbm>> -> memref<512xi32, #tpu.memory_space<hbm>>
    tpu.enqueue_dma source(%dma_start3A_3 : memref<512xi32, #tpu.memory_space<hbm>>) target(%arg8 : memref<512xi32, #tpu.memory_space<vmem>>) target_semaphore(%arg13 : memref<!tpu.dma_semaphore, #tpu.memory_space<semaphore_mem>>)
    %dma_start3A_4 = tpu.memref_slice %arg3[%mul3A_2] : memref<16384xi32, #tpu.memory_space<hbm>> -> memref<512xi32, #tpu.memory_space<hbm>>
    %dma_start3A_5 = tpu.memref_slice %arg3[%mul3A_2] : memref<16384xi32, #tpu.memory_space<hbm>> -> memref<512xi32, #tpu.memory_space<hbm>>
    tpu.enqueue_dma source(%dma_start3A_5 : memref<512xi32, #tpu.memory_space<hbm>>) target(%arg9 : memref<512xi32, #tpu.memory_space<vmem>>) target_semaphore(%arg13 : memref<!tpu.dma_semaphore, #tpu.memory_space<semaphore_mem>>)
    %dma_start3A_6 = arith.constant 0 : i32
    %dma_start3A_7 = tpu.memref_slice %arg11[%dma_start3A_6] : memref<128xf32, #tpu.memory_space<vmem>> -> memref<40xf32, #tpu.memory_space<vmem>>
    %dma_start3A_8 = arith.constant 0 : i32
    %dma_start3A_9 = tpu.memref_slice %arg11[%dma_start3A_8] : memref<128xf32, #tpu.memory_space<vmem>> -> memref<40xf32, #tpu.memory_space<vmem>>
    tpu.enqueue_dma source(%arg4 : memref<40xf32, #tpu.memory_space<hbm>>) target(%dma_start3A_9 : memref<40xf32, #tpu.memory_space<vmem>>) target_semaphore(%arg14 : memref<!tpu.dma_semaphore, #tpu.memory_space<semaphore_mem>>)
    %dma_start3A_10 = arith.constant 40 : i32
    %dma_start3A_11 = tpu.memref_slice %arg11[%dma_start3A_10] : memref<128xf32, #tpu.memory_space<vmem>> -> memref<8xf32, #tpu.memory_space<vmem>>
    %dma_start3A_12 = arith.constant 40 : i32
    %dma_start3A_13 = tpu.memref_slice %arg11[%dma_start3A_12] : memref<128xf32, #tpu.memory_space<vmem>> -> memref<8xf32, #tpu.memory_space<vmem>>
    tpu.enqueue_dma source(%arg5 : memref<8xf32, #tpu.memory_space<hbm>>) target(%dma_start3A_13 : memref<8xf32, #tpu.memory_space<vmem>>) target_semaphore(%arg14 : memref<!tpu.dma_semaphore, #tpu.memory_space<semaphore_mem>>)
    %dma_start3A_14 = arith.constant 48 : i32
    %dma_start3A_15 = tpu.memref_slice %arg11[%dma_start3A_14] : memref<128xf32, #tpu.memory_space<vmem>> -> memref<1xf32, #tpu.memory_space<vmem>>
    %dma_start3A_16 = arith.constant 48 : i32
    %dma_start3A_17 = tpu.memref_slice %arg11[%dma_start3A_16] : memref<128xf32, #tpu.memory_space<vmem>> -> memref<1xf32, #tpu.memory_space<vmem>>
    tpu.enqueue_dma source(%arg6 : memref<1xf32, #tpu.memory_space<hbm>>) target(%dma_start3A_17 : memref<1xf32, #tpu.memory_space<vmem>>) target_semaphore(%arg14 : memref<!tpu.dma_semaphore, #tpu.memory_space<semaphore_mem>>)
    %dma_wait3A = arith.constant 0 : i32
    %dma_wait3A_18 = tpu.memref_slice %arg11[%dma_wait3A] : memref<128xf32, #tpu.memory_space<vmem>> -> memref<40xf32, #tpu.memory_space<vmem>>
    %dma_wait3A_19 = arith.constant 0 : i32
    %dma_wait3A_20 = tpu.memref_slice %arg11[%dma_wait3A_19] : memref<128xf32, #tpu.memory_space<vmem>> -> memref<40xf32, #tpu.memory_space<vmem>>
    tpu.wait_dma2 semaphore(%arg14 : memref<!tpu.dma_semaphore, #tpu.memory_space<semaphore_mem>>) src(%arg4 : memref<40xf32, #tpu.memory_space<hbm>>) dst(%dma_wait3A_20 : memref<40xf32, #tpu.memory_space<vmem>>)
    %dma_wait3A_21 = arith.constant 40 : i32
    %dma_wait3A_22 = tpu.memref_slice %arg11[%dma_wait3A_21] : memref<128xf32, #tpu.memory_space<vmem>> -> memref<8xf32, #tpu.memory_space<vmem>>
    %dma_wait3A_23 = arith.constant 40 : i32
    %dma_wait3A_24 = tpu.memref_slice %arg11[%dma_wait3A_23] : memref<128xf32, #tpu.memory_space<vmem>> -> memref<8xf32, #tpu.memory_space<vmem>>
    tpu.wait_dma2 semaphore(%arg14 : memref<!tpu.dma_semaphore, #tpu.memory_space<semaphore_mem>>) src(%arg5 : memref<8xf32, #tpu.memory_space<hbm>>) dst(%dma_wait3A_24 : memref<8xf32, #tpu.memory_space<vmem>>)
    %dma_wait3A_25 = arith.constant 48 : i32
    %dma_wait3A_26 = tpu.memref_slice %arg11[%dma_wait3A_25] : memref<128xf32, #tpu.memory_space<vmem>> -> memref<1xf32, #tpu.memory_space<vmem>>
    %dma_wait3A_27 = arith.constant 48 : i32
    %dma_wait3A_28 = tpu.memref_slice %arg11[%dma_wait3A_27] : memref<128xf32, #tpu.memory_space<vmem>> -> memref<1xf32, #tpu.memory_space<vmem>>
    tpu.wait_dma2 semaphore(%arg14 : memref<!tpu.dma_semaphore, #tpu.memory_space<semaphore_mem>>) src(%arg6 : memref<1xf32, #tpu.memory_space<hbm>>) dst(%dma_wait3A_28 : memref<1xf32, #tpu.memory_space<vmem>>)
    %iota3A = tpu.iota {dimensions = array<i32: 0>} : vector<16xi32>
    %min3A = arith.constant 9 : i32
    %min3A_29 = vector.broadcast %min3A : i32 to vector<16xi32>
    %min3A_30 = arith.minsi %iota3A, %min3A_29 : vector<16xi32>
    %get3A = arith.constant 40 : index
    %get3A_31 = tpu.vector_load %arg11[%get3A] {strides = array<i32>} : memref<128xf32, #tpu.memory_space<vmem>>, vector<16xf32>,
    %broadcast_in_dim3A = arith.constant 8 : i32
    %broadcast_in_dim3A_32 = vector.broadcast %broadcast_in_dim3A : i32 to vector<16xi32>
    %lt3A = arith.constant 0 : i32
    %lt3A_33 = vector.broadcast %lt3A : i32 to vector<16xi32>
    %lt3A_34 = arith.cmpi slt, %broadcast_in_dim3A_32, %lt3A_33 : vector<16xi32>
    %add3A_35 = arith.constant 16 : i32
    %add3A_36 = vector.broadcast %add3A_35 : i32 to vector<16xi32>
    %add3A_37 = arith.addi %broadcast_in_dim3A_32, %add3A_36 : vector<16xi32>
    %select_n3A = arith.select %lt3A_34, %add3A_37, %broadcast_in_dim3A_32 : vector<16xi1>, vector<16xi32>
    %reshape3A = vector.shape_cast %select_n3A : vector<16xi32> to vector<16x1xi32>
    %gather3A = vector.shape_cast %reshape3A : vector<16x1xi32> to vector<16xi32>
    %gather3A_38 = tpu.dynamic_gather %get3A_31[%gather3A] in [0] : vector<16xf32>, vector<16xi32> -> vector<16xf32>
    %broadcast_in_dim3A_39 = arith.constant 0.000000e+00 : f32
    %broadcast_in_dim3A_40 = vector.broadcast %broadcast_in_dim3A_39 : f32 to vector<16xf32>
    %mul3A_41 = arith.constant 4 : i32
    %mul3A_42 = vector.broadcast %mul3A_41 : i32 to vector<16xi32>
    %mul3A_43 = arith.muli %min3A_30, %mul3A_42 : vector<16xi32>
    %add3A_44 = arith.constant 0 : i32
    %add3A_45 = vector.broadcast %add3A_44 : i32 to vector<16xi32>
    %add3A_46 = arith.addi %mul3A_43, %add3A_45 : vector<16xi32>
    %gather3A_47 = tpu.vector_load_idx %arg11[%add3A_46] : memref<128xf32, #tpu.memory_space<vmem>>[vector<16xi32>], vector<16xf32>,
    %broadcast_in_dim3A_48 = arith.constant 0 : i32
    %broadcast_in_dim3A_49 = vector.broadcast %broadcast_in_dim3A_48 : i32 to vector<16xi32>
    %lt3A_50 = arith.constant 0 : i32
    %lt3A_51 = vector.broadcast %lt3A_50 : i32 to vector<16xi32>
    %lt3A_52 = arith.cmpi slt, %broadcast_in_dim3A_49, %lt3A_51 : vector<16xi32>
    %add3A_53 = arith.constant 16 : i32
    %add3A_54 = vector.broadcast %add3A_53 : i32 to vector<16xi32>
    %add3A_55 = arith.addi %broadcast_in_dim3A_49, %add3A_54 : vector<16xi32>
    %select_n3A_56 = arith.select %lt3A_52, %add3A_55, %broadcast_in_dim3A_49 : vector<16xi1>, vector<16xi32>
    %reshape3A_57 = vector.shape_cast %select_n3A_56 : vector<16xi32> to vector<16x1xi32>
    %gather3A_58 = vector.shape_cast %reshape3A_57 : vector<16x1xi32> to vector<16xi32>
    %gather3A_59 = tpu.dynamic_gather %get3A_31[%gather3A_58] in [0] : vector<16xf32>, vector<16xi32> -> vector<16xf32>
    %broadcast_in_dim3A_60 = arith.constant 4 : i32
    %broadcast_in_dim3A_61 = vector.broadcast %broadcast_in_dim3A_60 : i32 to vector<16xi32>
    %lt3A_62 = arith.constant 0 : i32
    %lt3A_63 = vector.broadcast %lt3A_62 : i32 to vector<16xi32>
    %lt3A_64 = arith.cmpi slt, %broadcast_in_dim3A_61, %lt3A_63 : vector<16xi32>
    %add3A_65 = arith.constant 16 : i32
    %add3A_66 = vector.broadcast %add3A_65 : i32 to vector<16xi32>
    %add3A_67 = arith.addi %broadcast_in_dim3A_61, %add3A_66 : vector<16xi32>
    %select_n3A_68 = arith.select %lt3A_64, %add3A_67, %broadcast_in_dim3A_61 : vector<16xi1>, vector<16xi32>
    %reshape3A_69 = vector.shape_cast %select_n3A_68 : vector<16xi32> to vector<16x1xi32>
    %gather3A_70 = vector.shape_cast %reshape3A_69 : vector<16x1xi32> to vector<16xi32>
    %gather3A_71 = tpu.dynamic_gather %get3A_31[%gather3A_70] in [0] : vector<16xf32>, vector<16xi32> -> vector<16xf32>
    %mul3A_72 = arith.mulf %gather3A_47, %gather3A_59 : vector<16xf32>
    %add3A_73 = arith.addf %gather3A_38, %mul3A_72 : vector<16xf32>
    %mul3A_74 = arith.mulf %gather3A_47, %gather3A_71 : vector<16xf32>
    %add3A_75 = arith.addf %broadcast_in_dim3A_40, %mul3A_74 : vector<16xf32>
    %mul3A_76 = arith.constant 4 : i32
    %mul3A_77 = vector.broadcast %mul3A_76 : i32 to vector<16xi32>
    %mul3A_78 = arith.muli %min3A_30, %mul3A_77 : vector<16xi32>
    %add3A_79 = arith.constant 1 : i32
    %add3A_80 = vector.broadcast %add3A_79 : i32 to vector<16xi32>
    %add3A_81 = arith.addi %mul3A_78, %add3A_80 : vector<16xi32>
    %gather3A_82 = tpu.vector_load_idx %arg11[%add3A_81] : memref<128xf32, #tpu.memory_space<vmem>>[vector<16xi32>], vector<16xf32>,
    %broadcast_in_dim3A_83 = arith.constant 1 : i32
    %broadcast_in_dim3A_84 = vector.broadcast %broadcast_in_dim3A_83 : i32 to vector<16xi32>
    %lt3A_85 = arith.constant 0 : i32
    %lt3A_86 = vector.broadcast %lt3A_85 : i32 to vector<16xi32>
    %lt3A_87 = arith.cmpi slt, %broadcast_in_dim3A_84, %lt3A_86 : vector<16xi32>
    %add3A_88 = arith.constant 16 : i32
    %add3A_89 = vector.broadcast %add3A_88 : i32 to vector<16xi32>
    %add3A_90 = arith.addi %broadcast_in_dim3A_84, %add3A_89 : vector<16xi32>
    %select_n3A_91 = arith.select %lt3A_87, %add3A_90, %broadcast_in_dim3A_84 : vector<16xi1>, vector<16xi32>
    %reshape3A_92 = vector.shape_cast %select_n3A_91 : vector<16xi32> to vector<16x1xi32>
    %gather3A_93 = vector.shape_cast %reshape3A_92 : vector<16x1xi32> to vector<16xi32>
    %gather3A_94 = tpu.dynamic_gather %get3A_31[%gather3A_93] in [0] : vector<16xf32>, vector<16xi32> -> vector<16xf32>
    %broadcast_in_dim3A_95 = arith.constant 5 : i32
    %broadcast_in_dim3A_96 = vector.broadcast %broadcast_in_dim3A_95 : i32 to vector<16xi32>
    %lt3A_97 = arith.constant 0 : i32
    %lt3A_98 = vector.broadcast %lt3A_97 : i32 to vector<16xi32>
    %lt3A_99 = arith.cmpi slt, %broadcast_in_dim3A_96, %lt3A_98 : vector<16xi32>
    %add3A_100 = arith.constant 16 : i32
    %add3A_101 = vector.broadcast %add3A_100 : i32 to vector<16xi32>
    %add3A_102 = arith.addi %broadcast_in_dim3A_96, %add3A_101 : vector<16xi32>
    %select_n3A_103 = arith.select %lt3A_99, %add3A_102, %broadcast_in_dim3A_96 : vector<16xi1>, vector<16xi32>
    %reshape3A_104 = vector.shape_cast %select_n3A_103 : vector<16xi32> to vector<16x1xi32>
    %gather3A_105 = vector.shape_cast %reshape3A_104 : vector<16x1xi32> to vector<16xi32>
    %gather3A_106 = tpu.dynamic_gather %get3A_31[%gather3A_105] in [0] : vector<16xf32>, vector<16xi32> -> vector<16xf32>
    %mul3A_107 = arith.mulf %gather3A_82, %gather3A_94 : vector<16xf32>
    %add3A_108 = arith.addf %add3A_73, %mul3A_107 : vector<16xf32>
    %mul3A_109 = arith.mulf %gather3A_82, %gather3A_106 : vector<16xf32>
    %add3A_110 = arith.addf %add3A_75, %mul3A_109 : vector<16xf32>
    %mul3A_111 = arith.constant 4 : i32
    %mul3A_112 = vector.broadcast %mul3A_111 : i32 to vector<16xi32>
    %mul3A_113 = arith.muli %min3A_30, %mul3A_112 : vector<16xi32>
    %add3A_114 = arith.constant 2 : i32
    %add3A_115 = vector.broadcast %add3A_114 : i32 to vector<16xi32>
    %add3A_116 = arith.addi %mul3A_113, %add3A_115 : vector<16xi32>
    %gather3A_117 = tpu.vector_load_idx %arg11[%add3A_116] : memref<128xf32, #tpu.memory_space<vmem>>[vector<16xi32>], vector<16xf32>,
    %broadcast_in_dim3A_118 = arith.constant 2 : i32
    %broadcast_in_dim3A_119 = vector.broadcast %broadcast_in_dim3A_118 : i32 to vector<16xi32>
    %lt3A_120 = arith.constant 0 : i32
    %lt3A_121 = vector.broadcast %lt3A_120 : i32 to vector<16xi32>
    %lt3A_122 = arith.cmpi slt, %broadcast_in_dim3A_119, %lt3A_121 : vector<16xi32>
    %add3A_123 = arith.constant 16 : i32
    %add3A_124 = vector.broadcast %add3A_123 : i32 to vector<16xi32>
    %add3A_125 = arith.addi %broadcast_in_dim3A_119, %add3A_124 : vector<16xi32>
    %select_n3A_126 = arith.select %lt3A_122, %add3A_125, %broadcast_in_dim3A_119 : vector<16xi1>, vector<16xi32>
    %reshape3A_127 = vector.shape_cast %select_n3A_126 : vector<16xi32> to vector<16x1xi32>
    %gather3A_128 = vector.shape_cast %reshape3A_127 : vector<16x1xi32> to vector<16xi32>
    %gather3A_129 = tpu.dynamic_gather %get3A_31[%gather3A_128] in [0] : vector<16xf32>, vector<16xi32> -> vector<16xf32>
    %broadcast_in_dim3A_130 = arith.constant 6 : i32
    %broadcast_in_dim3A_131 = vector.broadcast %broadcast_in_dim3A_130 : i32 to vector<16xi32>
    %lt3A_132 = arith.constant 0 : i32
    %lt3A_133 = vector.broadcast %lt3A_132 : i32 to vector<16xi32>
    %lt3A_134 = arith.cmpi slt, %broadcast_in_dim3A_131, %lt3A_133 : vector<16xi32>
    %add3A_135 = arith.constant 16 : i32
    %add3A_136 = vector.broadcast %add3A_135 : i32 to vector<16xi32>
    %add3A_137 = arith.addi %broadcast_in_dim3A_131, %add3A_136 : vector<16xi32>
    %select_n3A_138 = arith.select %lt3A_134, %add3A_137, %broadcast_in_dim3A_131 : vector<16xi1>, vector<16xi32>
    %reshape3A_139 = vector.shape_cast %select_n3A_138 : vector<16xi32> to vector<16x1xi32>
    %gather3A_140 = vector.shape_cast %reshape3A_139 : vector<16x1xi32> to vector<16xi32>
    %gather3A_141 = tpu.dynamic_gather %get3A_31[%gather3A_140] in [0] : vector<16xf32>, vector<16xi32> -> vector<16xf32>
    %mul3A_142 = arith.mulf %gather3A_117, %gather3A_129 : vector<16xf32>
    %add3A_143 = arith.addf %add3A_108, %mul3A_142 : vector<16xf32>
    %mul3A_144 = arith.mulf %gather3A_117, %gather3A_141 : vector<16xf32>
    %add3A_145 = arith.addf %add3A_110, %mul3A_144 : vector<16xf32>
    %mul3A_146 = arith.constant 4 : i32
    %mul3A_147 = vector.broadcast %mul3A_146 : i32 to vector<16xi32>
    %mul3A_148 = arith.muli %min3A_30, %mul3A_147 : vector<16xi32>
    %add3A_149 = arith.constant 3 : i32
    %add3A_150 = vector.broadcast %add3A_149 : i32 to vector<16xi32>
    %add3A_151 = arith.addi %mul3A_148, %add3A_150 : vector<16xi32>
    %gather3A_152 = tpu.vector_load_idx %arg11[%add3A_151] : memref<128xf32, #tpu.memory_space<vmem>>[vector<16xi32>], vector<16xf32>,
    %broadcast_in_dim3A_153 = arith.constant 3 : i32
    %broadcast_in_dim3A_154 = vector.broadcast %broadcast_in_dim3A_153 : i32 to vector<16xi32>
    %lt3A_155 = arith.constant 0 : i32
    %lt3A_156 = vector.broadcast %lt3A_155 : i32 to vector<16xi32>
    %lt3A_157 = arith.cmpi slt, %broadcast_in_dim3A_154, %lt3A_156 : vector<16xi32>
    %add3A_158 = arith.constant 16 : i32
    %add3A_159 = vector.broadcast %add3A_158 : i32 to vector<16xi32>
    %add3A_160 = arith.addi %broadcast_in_dim3A_154, %add3A_159 : vector<16xi32>
    %select_n3A_161 = arith.select %lt3A_157, %add3A_160, %broadcast_in_dim3A_154 : vector<16xi1>, vector<16xi32>
    %reshape3A_162 = vector.shape_cast %select_n3A_161 : vector<16xi32> to vector<16x1xi32>
    %gather3A_163 = vector.shape_cast %reshape3A_162 : vector<16x1xi32> to vector<16xi32>
    %gather3A_164 = tpu.dynamic_gather %get3A_31[%gather3A_163] in [0] : vector<16xf32>, vector<16xi32> -> vector<16xf32>
    %broadcast_in_dim3A_165 = arith.constant 7 : i32
    %broadcast_in_dim3A_166 = vector.broadcast %broadcast_in_dim3A_165 : i32 to vector<16xi32>
    %lt3A_167 = arith.constant 0 : i32
    %lt3A_168 = vector.broadcast %lt3A_167 : i32 to vector<16xi32>
    %lt3A_169 = arith.cmpi slt, %broadcast_in_dim3A_166, %lt3A_168 : vector<16xi32>
    %add3A_170 = arith.constant 16 : i32
    %add3A_171 = vector.broadcast %add3A_170 : i32 to vector<16xi32>
    %add3A_172 = arith.addi %broadcast_in_dim3A_166, %add3A_171 : vector<16xi32>
    %select_n3A_173 = arith.select %lt3A_169, %add3A_172, %broadcast_in_dim3A_166 : vector<16xi1>, vector<16xi32>
    %reshape3A_174 = vector.shape_cast %select_n3A_173 : vector<16xi32> to vector<16x1xi32>
    %gather3A_175 = vector.shape_cast %reshape3A_174 : vector<16x1xi32> to vector<16xi32>
    %gather3A_176 = tpu.dynamic_gather %get3A_31[%gather3A_175] in [0] : vector<16xf32>, vector<16xi32> -> vector<16xf32>
    %mul3A_177 = arith.mulf %gather3A_152, %gather3A_164 : vector<16xf32>
    %add3A_178 = arith.addf %add3A_143, %mul3A_177 : vector<16xf32>
    %mul3A_179 = arith.mulf %gather3A_152, %gather3A_176 : vector<16xf32>
    %add3A_180 = arith.addf %add3A_145, %mul3A_179 : vector<16xf32>
    %neg3A = arith.constant 0.000000e+00 : f32
    %neg3A_181 = vector.broadcast %neg3A : f32 to vector<16xf32>
    %neg3A_182 = arith.subf %neg3A_181, %add3A_178 : vector<16xf32>
    %neg3A_183 = arith.constant 0.000000e+00 : f32
    %neg3A_184 = vector.broadcast %neg3A_183 : f32 to vector<16xf32>
    %neg3A_185 = arith.subf %neg3A_184, %add3A_180 : vector<16xf32>
    %broadcast_in_dim3A_186 = arith.constant 0 : i32
    %broadcast_in_dim3A_187 = vector.broadcast %broadcast_in_dim3A_186 : i32 to vector<16xi32>
    %lt3A_188 = arith.constant 0 : i32
    %lt3A_189 = vector.broadcast %lt3A_188 : i32 to vector<16xi32>
    %lt3A_190 = arith.cmpi slt, %broadcast_in_dim3A_187, %lt3A_189 : vector<16xi32>
    %add3A_191 = arith.constant 16 : i32
    %add3A_192 = vector.broadcast %add3A_191 : i32 to vector<16xi32>
    %add3A_193 = arith.addi %broadcast_in_dim3A_187, %add3A_192 : vector<16xi32>
    %select_n3A_194 = arith.select %lt3A_190, %add3A_193, %broadcast_in_dim3A_187 : vector<16xi1>, vector<16xi32>
    %reshape3A_195 = vector.shape_cast %select_n3A_194 : vector<16xi32> to vector<16x1xi32>
    %gather3A_196 = vector.shape_cast %reshape3A_195 : vector<16x1xi32> to vector<16xi32>
    %gather3A_197 = tpu.dynamic_gather %neg3A_182[%gather3A_196] in [0] : vector<16xf32>, vector<16xi32> -> vector<16xf32>
    %add3A_198 = arith.addf %gather3A_197, %neg3A_185 : vector<16xf32>
    %exp3A = math.exp %add3A_198 : vector<16xf32>
    %add3A_199 = arith.constant 1.000000e+00 : f32
    %add3A_200 = vector.broadcast %add3A_199 : f32 to vector<16xf32>
    %add3A_201 = arith.addf %add3A_200, %exp3A : vector<16xf32>
    %div3A = arith.constant 1.000000e+00 : f32
    %div3A_202 = vector.broadcast %div3A : f32 to vector<16xf32>
    %div3A_203 = arith.divf %div3A_202, %add3A_201 : vector<16xf32>
    %swap3A = arith.constant 0 : index
    %swap3A_204 = tpu.vector_load %arg12[%swap3A] {strides = array<i32>} : memref<160xf32, #tpu.memory_space<vmem>>, vector<16xf32>,
    tpu.vector_store %arg12[%swap3A], %div3A_203 {strides = array<i32>} : memref<160xf32, #tpu.memory_space<vmem>>, vector<16xf32>,
    %broadcast_in_dim3A_205 = arith.constant 1 : i32
    %broadcast_in_dim3A_206 = vector.broadcast %broadcast_in_dim3A_205 : i32 to vector<16xi32>
    %lt3A_207 = arith.constant 0 : i32
    %lt3A_208 = vector.broadcast %lt3A_207 : i32 to vector<16xi32>
    %lt3A_209 = arith.cmpi slt, %broadcast_in_dim3A_206, %lt3A_208 : vector<16xi32>
    %add3A_210 = arith.constant 16 : i32
    %add3A_211 = vector.broadcast %add3A_210 : i32 to vector<16xi32>
    %add3A_212 = arith.addi %broadcast_in_dim3A_206, %add3A_211 : vector<16xi32>
    %select_n3A_213 = arith.select %lt3A_209, %add3A_212, %broadcast_in_dim3A_206 : vector<16xi1>, vector<16xi32>
    %reshape3A_214 = vector.shape_cast %select_n3A_213 : vector<16xi32> to vector<16x1xi32>
    %gather3A_215 = vector.shape_cast %reshape3A_214 : vector<16x1xi32> to vector<16xi32>
    %gather3A_216 = tpu.dynamic_gather %neg3A_182[%gather3A_215] in [0] : vector<16xf32>, vector<16xi32> -> vector<16xf32>
    %add3A_217 = arith.addf %gather3A_216, %neg3A_185 : vector<16xf32>
    %exp3A_218 = math.exp %add3A_217 : vector<16xf32>
    %add3A_219 = arith.constant 1.000000e+00 : f32
    %add3A_220 = vector.broadcast %add3A_219 : f32 to vector<16xf32>
    %add3A_221 = arith.addf %add3A_220, %exp3A_218 : vector<16xf32>
    %div3A_222 = arith.constant 1.000000e+00 : f32
    %div3A_223 = vector.broadcast %div3A_222 : f32 to vector<16xf32>
    %div3A_224 = arith.divf %div3A_223, %add3A_221 : vector<16xf32>
    %swap3A_225 = arith.constant 16 : index
    %swap3A_226 = tpu.vector_load %arg12[%swap3A_225] {strides = array<i32>} : memref<160xf32, #tpu.memory_space<vmem>>, vector<16xf32>,
    tpu.vector_store %arg12[%swap3A_225], %div3A_224 {strides = array<i32>} : memref<160xf32, #tpu.memory_space<vmem>>, vector<16xf32>,
    %broadcast_in_dim3A_227 = arith.constant 2 : i32
    %broadcast_in_dim3A_228 = vector.broadcast %broadcast_in_dim3A_227 : i32 to vector<16xi32>
    %lt3A_229 = arith.constant 0 : i32
    %lt3A_230 = vector.broadcast %lt3A_229 : i32 to vector<16xi32>
    %lt3A_231 = arith.cmpi slt, %broadcast_in_dim3A_228, %lt3A_230 : vector<16xi32>
    %add3A_232 = arith.constant 16 : i32
    %add3A_233 = vector.broadcast %add3A_232 : i32 to vector<16xi32>
    %add3A_234 = arith.addi %broadcast_in_dim3A_228, %add3A_233 : vector<16xi32>
    %select_n3A_235 = arith.select %lt3A_231, %add3A_234, %broadcast_in_dim3A_228 : vector<16xi1>, vector<16xi32>
    %reshape3A_236 = vector.shape_cast %select_n3A_235 : vector<16xi32> to vector<16x1xi32>
    %gather3A_237 = vector.shape_cast %reshape3A_236 : vector<16x1xi32> to vector<16xi32>
    %gather3A_238 = tpu.dynamic_gather %neg3A_182[%gather3A_237] in [0] : vector<16xf32>, vector<16xi32> -> vector<16xf32>
    %add3A_239 = arith.addf %gather3A_238, %neg3A_185 : vector<16xf32>
    %exp3A_240 = math.exp %add3A_239 : vector<16xf32>
    %add3A_241 = arith.constant 1.000000e+00 : f32
    %add3A_242 = vector.broadcast %add3A_241 : f32 to vector<16xf32>
    %add3A_243 = arith.addf %add3A_242, %exp3A_240 : vector<16xf32>
    %div3A_244 = arith.constant 1.000000e+00 : f32
    %div3A_245 = vector.broadcast %div3A_244 : f32 to vector<16xf32>
    %div3A_246 = arith.divf %div3A_245, %add3A_243 : vector<16xf32>
    %swap3A_247 = arith.constant 32 : index
    %swap3A_248 = tpu.vector_load %arg12[%swap3A_247] {strides = array<i32>} : memref<160xf32, #tpu.memory_space<vmem>>, vector<16xf32>,
    tpu.vector_store %arg12[%swap3A_247], %div3A_246 {strides = array<i32>} : memref<160xf32, #tpu.memory_space<vmem>>, vector<16xf32>,
    %broadcast_in_dim3A_249 = arith.constant 3 : i32
    %broadcast_in_dim3A_250 = vector.broadcast %broadcast_in_dim3A_249 : i32 to vector<16xi32>
    %lt3A_251 = arith.constant 0 : i32
    %lt3A_252 = vector.broadcast %lt3A_251 : i32 to vector<16xi32>
    %lt3A_253 = arith.cmpi slt, %broadcast_in_dim3A_250, %lt3A_252 : vector<16xi32>
    %add3A_254 = arith.constant 16 : i32
    %add3A_255 = vector.broadcast %add3A_254 : i32 to vector<16xi32>
    %add3A_256 = arith.addi %broadcast_in_dim3A_250, %add3A_255 : vector<16xi32>
    %select_n3A_257 = arith.select %lt3A_253, %add3A_256, %broadcast_in_dim3A_250 : vector<16xi1>, vector<16xi32>
    %reshape3A_258 = vector.shape_cast %select_n3A_257 : vector<16xi32> to vector<16x1xi32>
    %gather3A_259 = vector.shape_cast %reshape3A_258 : vector<16x1xi32> to vector<16xi32>
    %gather3A_260 = tpu.dynamic_gather %neg3A_182[%gather3A_259] in [0] : vector<16xf32>, vector<16xi32> -> vector<16xf32>
    %add3A_261 = arith.addf %gather3A_260, %neg3A_185 : vector<16xf32>
    %exp3A_262 = math.exp %add3A_261 : vector<16xf32>
    %add3A_263 = arith.constant 1.000000e+00 : f32
    %add3A_264 = vector.broadcast %add3A_263 : f32 to vector<16xf32>
    %add3A_265 = arith.addf %add3A_264, %exp3A_262 : vector<16xf32>
    %div3A_266 = arith.constant 1.000000e+00 : f32
    %div3A_267 = vector.broadcast %div3A_266 : f32 to vector<16xf32>
    %div3A_268 = arith.divf %div3A_267, %add3A_265 : vector<16xf32>
    %swap3A_269 = arith.constant 48 : index
    %swap3A_270 = tpu.vector_load %arg12[%swap3A_269] {strides = array<i32>} : memref<160xf32, #tpu.memory_space<vmem>>, vector<16xf32>,
    tpu.vector_store %arg12[%swap3A_269], %div3A_268 {strides = array<i32>} : memref<160xf32, #tpu.memory_space<vmem>>, vector<16xf32>,
    %broadcast_in_dim3A_271 = arith.constant 4 : i32
    %broadcast_in_dim3A_272 = vector.broadcast %broadcast_in_dim3A_271 : i32 to vector<16xi32>
    %lt3A_273 = arith.constant 0 : i32
    %lt3A_274 = vector.broadcast %lt3A_273 : i32 to vector<16xi32>
    %lt3A_275 = arith.cmpi slt, %broadcast_in_dim3A_272, %lt3A_274 : vector<16xi32>
    %add3A_276 = arith.constant 16 : i32
    %add3A_277 = vector.broadcast %add3A_276 : i32 to vector<16xi32>
    %add3A_278 = arith.addi %broadcast_in_dim3A_272, %add3A_277 : vector<16xi32>
    %select_n3A_279 = arith.select %lt3A_275, %add3A_278, %broadcast_in_dim3A_272 : vector<16xi1>, vector<16xi32>
    %reshape3A_280 = vector.shape_cast %select_n3A_279 : vector<16xi32> to vector<16x1xi32>
    %gather3A_281 = vector.shape_cast %reshape3A_280 : vector<16x1xi32> to vector<16xi32>
    %gather3A_282 = tpu.dynamic_gather %neg3A_182[%gather3A_281] in [0] : vector<16xf32>, vector<16xi32> -> vector<16xf32>
    %add3A_283 = arith.addf %gather3A_282, %neg3A_185 : vector<16xf32>
    %exp3A_284 = math.exp %add3A_283 : vector<16xf32>
    %add3A_285 = arith.constant 1.000000e+00 : f32
    %add3A_286 = vector.broadcast %add3A_285 : f32 to vector<16xf32>
    %add3A_287 = arith.addf %add3A_286, %exp3A_284 : vector<16xf32>
    %div3A_288 = arith.constant 1.000000e+00 : f32
    %div3A_289 = vector.broadcast %div3A_288 : f32 to vector<16xf32>
    %div3A_290 = arith.divf %div3A_289, %add3A_287 : vector<16xf32>
    %swap3A_291 = arith.constant 64 : index
    %swap3A_292 = tpu.vector_load %arg12[%swap3A_291] {strides = array<i32>} : memref<160xf32, #tpu.memory_space<vmem>>, vector<16xf32>,
    tpu.vector_store %arg12[%swap3A_291], %div3A_290 {strides = array<i32>} : memref<160xf32, #tpu.memory_space<vmem>>, vector<16xf32>,
    %broadcast_in_dim3A_293 = arith.constant 5 : i32
    %broadcast_in_dim3A_294 = vector.broadcast %broadcast_in_dim3A_293 : i32 to vector<16xi32>
    %lt3A_295 = arith.constant 0 : i32
    %lt3A_296 = vector.broadcast %lt3A_295 : i32 to vector<16xi32>
    %lt3A_297 = arith.cmpi slt, %broadcast_in_dim3A_294, %lt3A_296 : vector<16xi32>
    %add3A_298 = arith.constant 16 : i32
    %add3A_299 = vector.broadcast %add3A_298 : i32 to vector<16xi32>
    %add3A_300 = arith.addi %broadcast_in_dim3A_294, %add3A_299 : vector<16xi32>
    %select_n3A_301 = arith.select %lt3A_297, %add3A_300, %broadcast_in_dim3A_294 : vector<16xi1>, vector<16xi32>
    %reshape3A_302 = vector.shape_cast %select_n3A_301 : vector<16xi32> to vector<16x1xi32>
    %gather3A_303 = vector.shape_cast %reshape3A_302 : vector<16x1xi32> to vector<16xi32>
    %gather3A_304 = tpu.dynamic_gather %neg3A_182[%gather3A_303] in [0] : vector<16xf32>, vector<16xi32> -> vector<16xf32>
    %add3A_305 = arith.addf %gather3A_304, %neg3A_185 : vector<16xf32>
    %exp3A_306 = math.exp %add3A_305 : vector<16xf32>
    %add3A_307 = arith.constant 1.000000e+00 : f32
    %add3A_308 = vector.broadcast %add3A_307 : f32 to vector<16xf32>
    %add3A_309 = arith.addf %add3A_308, %exp3A_306 : vector<16xf32>
    %div3A_310 = arith.constant 1.000000e+00 : f32
    %div3A_311 = vector.broadcast %div3A_310 : f32 to vector<16xf32>
    %div3A_312 = arith.divf %div3A_311, %add3A_309 : vector<16xf32>
    %swap3A_313 = arith.constant 80 : index
    %swap3A_314 = tpu.vector_load %arg12[%swap3A_313] {strides = array<i32>} : memref<160xf32, #tpu.memory_space<vmem>>, vector<16xf32>,
    tpu.vector_store %arg12[%swap3A_313], %div3A_312 {strides = array<i32>} : memref<160xf32, #tpu.memory_space<vmem>>, vector<16xf32>,
    %broadcast_in_dim3A_315 = arith.constant 6 : i32
    %broadcast_in_dim3A_316 = vector.broadcast %broadcast_in_dim3A_315 : i32 to vector<16xi32>
    %lt3A_317 = arith.constant 0 : i32
    %lt3A_318 = vector.broadcast %lt3A_317 : i32 to vector<16xi32>
    %lt3A_319 = arith.cmpi slt, %broadcast_in_dim3A_316, %lt3A_318 : vector<16xi32>
    %add3A_320 = arith.constant 16 : i32
    %add3A_321 = vector.broadcast %add3A_320 : i32 to vector<16xi32>
    %add3A_322 = arith.addi %broadcast_in_dim3A_316, %add3A_321 : vector<16xi32>
    %select_n3A_323 = arith.select %lt3A_319, %add3A_322, %broadcast_in_dim3A_316 : vector<16xi1>, vector<16xi32>
    %reshape3A_324 = vector.shape_cast %select_n3A_323 : vector<16xi32> to vector<16x1xi32>
    %gather3A_325 = vector.shape_cast %reshape3A_324 : vector<16x1xi32> to vector<16xi32>
    %gather3A_326 = tpu.dynamic_gather %neg3A_182[%gather3A_325] in [0] : vector<16xf32>, vector<16xi32> -> vector<16xf32>
    %add3A_327 = arith.addf %gather3A_326, %neg3A_185 : vector<16xf32>
    %exp3A_328 = math.exp %add3A_327 : vector<16xf32>
    %add3A_329 = arith.constant 1.000000e+00 : f32
    %add3A_330 = vector.broadcast %add3A_329 : f32 to vector<16xf32>
    %add3A_331 = arith.addf %add3A_330, %exp3A_328 : vector<16xf32>
    %div3A_332 = arith.constant 1.000000e+00 : f32
    %div3A_333 = vector.broadcast %div3A_332 : f32 to vector<16xf32>
    %div3A_334 = arith.divf %div3A_333, %add3A_331 : vector<16xf32>
    %swap3A_335 = arith.constant 96 : index
    %swap3A_336 = tpu.vector_load %arg12[%swap3A_335] {strides = array<i32>} : memref<160xf32, #tpu.memory_space<vmem>>, vector<16xf32>,
    tpu.vector_store %arg12[%swap3A_335], %div3A_334 {strides = array<i32>} : memref<160xf32, #tpu.memory_space<vmem>>, vector<16xf32>,
    %broadcast_in_dim3A_337 = arith.constant 7 : i32
    %broadcast_in_dim3A_338 = vector.broadcast %broadcast_in_dim3A_337 : i32 to vector<16xi32>
    %lt3A_339 = arith.constant 0 : i32
    %lt3A_340 = vector.broadcast %lt3A_339 : i32 to vector<16xi32>
    %lt3A_341 = arith.cmpi slt, %broadcast_in_dim3A_338, %lt3A_340 : vector<16xi32>
    %add3A_342 = arith.constant 16 : i32
    %add3A_343 = vector.broadcast %add3A_342 : i32 to vector<16xi32>
    %add3A_344 = arith.addi %broadcast_in_dim3A_338, %add3A_343 : vector<16xi32>
    %select_n3A_345 = arith.select %lt3A_341, %add3A_344, %broadcast_in_dim3A_338 : vector<16xi1>, vector<16xi32>
    %reshape3A_346 = vector.shape_cast %select_n3A_345 : vector<16xi32> to vector<16x1xi32>
    %gather3A_347 = vector.shape_cast %reshape3A_346 : vector<16x1xi32> to vector<16xi32>
    %gather3A_348 = tpu.dynamic_gather %neg3A_182[%gather3A_347] in [0] : vector<16xf32>, vector<16xi32> -> vector<16xf32>
    %add3A_349 = arith.addf %gather3A_348, %neg3A_185 : vector<16xf32>
    %exp3A_350 = math.exp %add3A_349 : vector<16xf32>
    %add3A_351 = arith.constant 1.000000e+00 : f32
    %add3A_352 = vector.broadcast %add3A_351 : f32 to vector<16xf32>
    %add3A_353 = arith.addf %add3A_352, %exp3A_350 : vector<16xf32>
    %div3A_354 = arith.constant 1.000000e+00 : f32
    %div3A_355 = vector.broadcast %div3A_354 : f32 to vector<16xf32>
    %div3A_356 = arith.divf %div3A_355, %add3A_353 : vector<16xf32>
    %swap3A_357 = arith.constant 112 : index
    %swap3A_358 = tpu.vector_load %arg12[%swap3A_357] {strides = array<i32>} : memref<160xf32, #tpu.memory_space<vmem>>, vector<16xf32>,
    tpu.vector_store %arg12[%swap3A_357], %div3A_356 {strides = array<i32>} : memref<160xf32, #tpu.memory_space<vmem>>, vector<16xf32>,
    %broadcast_in_dim3A_359 = arith.constant 8 : i32
    %broadcast_in_dim3A_360 = vector.broadcast %broadcast_in_dim3A_359 : i32 to vector<16xi32>
    %lt3A_361 = arith.constant 0 : i32
    %lt3A_362 = vector.broadcast %lt3A_361 : i32 to vector<16xi32>
    %lt3A_363 = arith.cmpi slt, %broadcast_in_dim3A_360, %lt3A_362 : vector<16xi32>
    %add3A_364 = arith.constant 16 : i32
    %add3A_365 = vector.broadcast %add3A_364 : i32 to vector<16xi32>
    %add3A_366 = arith.addi %broadcast_in_dim3A_360, %add3A_365 : vector<16xi32>
    %select_n3A_367 = arith.select %lt3A_363, %add3A_366, %broadcast_in_dim3A_360 : vector<16xi1>, vector<16xi32>
    %reshape3A_368 = vector.shape_cast %select_n3A_367 : vector<16xi32> to vector<16x1xi32>
    %gather3A_369 = vector.shape_cast %reshape3A_368 : vector<16x1xi32> to vector<16xi32>
    %gather3A_370 = tpu.dynamic_gather %neg3A_182[%gather3A_369] in [0] : vector<16xf32>, vector<16xi32> -> vector<16xf32>
    %add3A_371 = arith.addf %gather3A_370, %neg3A_185 : vector<16xf32>
    %exp3A_372 = math.exp %add3A_371 : vector<16xf32>
    %add3A_373 = arith.constant 1.000000e+00 : f32
    %add3A_374 = vector.broadcast %add3A_373 : f32 to vector<16xf32>
    %add3A_375 = arith.addf %add3A_374, %exp3A_372 : vector<16xf32>
    %div3A_376 = arith.constant 1.000000e+00 : f32
    %div3A_377 = vector.broadcast %div3A_376 : f32 to vector<16xf32>
    %div3A_378 = arith.divf %div3A_377, %add3A_375 : vector<16xf32>
    %swap3A_379 = arith.constant 128 : index
    %swap3A_380 = tpu.vector_load %arg12[%swap3A_379] {strides = array<i32>} : memref<160xf32, #tpu.memory_space<vmem>>, vector<16xf32>,
    tpu.vector_store %arg12[%swap3A_379], %div3A_378 {strides = array<i32>} : memref<160xf32, #tpu.memory_space<vmem>>, vector<16xf32>,
    %broadcast_in_dim3A_381 = arith.constant 9 : i32
    %broadcast_in_dim3A_382 = vector.broadcast %broadcast_in_dim3A_381 : i32 to vector<16xi32>
    %lt3A_383 = arith.constant 0 : i32
    %lt3A_384 = vector.broadcast %lt3A_383 : i32 to vector<16xi32>
    %lt3A_385 = arith.cmpi slt, %broadcast_in_dim3A_382, %lt3A_384 : vector<16xi32>
    %add3A_386 = arith.constant 16 : i32
    %add3A_387 = vector.broadcast %add3A_386 : i32 to vector<16xi32>
    %add3A_388 = arith.addi %broadcast_in_dim3A_382, %add3A_387 : vector<16xi32>
    %select_n3A_389 = arith.select %lt3A_385, %add3A_388, %broadcast_in_dim3A_382 : vector<16xi1>, vector<16xi32>
    %reshape3A_390 = vector.shape_cast %select_n3A_389 : vector<16xi32> to vector<16x1xi32>
    %gather3A_391 = vector.shape_cast %reshape3A_390 : vector<16x1xi32> to vector<16xi32>
    %gather3A_392 = tpu.dynamic_gather %neg3A_182[%gather3A_391] in [0] : vector<16xf32>, vector<16xi32> -> vector<16xf32>
    %add3A_393 = arith.addf %gather3A_392, %neg3A_185 : vector<16xf32>
    %exp3A_394 = math.exp %add3A_393 : vector<16xf32>
    %add3A_395 = arith.constant 1.000000e+00 : f32
    %add3A_396 = vector.broadcast %add3A_395 : f32 to vector<16xf32>
    %add3A_397 = arith.addf %add3A_396, %exp3A_394 : vector<16xf32>
    %div3A_398 = arith.constant 1.000000e+00 : f32
    %div3A_399 = vector.broadcast %div3A_398 : f32 to vector<16xf32>
    %div3A_400 = arith.divf %div3A_399, %add3A_397 : vector<16xf32>
    %swap3A_401 = arith.constant 144 : index
    %swap3A_402 = tpu.vector_load %arg12[%swap3A_401] {strides = array<i32>} : memref<160xf32, #tpu.memory_space<vmem>>, vector<16xf32>,
    tpu.vector_store %arg12[%swap3A_401], %div3A_400 {strides = array<i32>} : memref<160xf32, #tpu.memory_space<vmem>>, vector<16xf32>,
    %dma_wait3A_403 = tpu.memref_slice %arg2[%mul3A_2] : memref<16384xi32, #tpu.memory_space<hbm>> -> memref<512xi32, #tpu.memory_space<hbm>>
    %dma_wait3A_404 = tpu.memref_slice %arg2[%mul3A_2] : memref<16384xi32, #tpu.memory_space<hbm>> -> memref<512xi32, #tpu.memory_space<hbm>>
    tpu.wait_dma2 semaphore(%arg13 : memref<!tpu.dma_semaphore, #tpu.memory_space<semaphore_mem>>) src(%dma_wait3A_404 : memref<512xi32, #tpu.memory_space<hbm>>) dst(%arg8 : memref<512xi32, #tpu.memory_space<vmem>>)
    %dma_wait3A_405 = tpu.memref_slice %arg3[%mul3A_2] : memref<16384xi32, #tpu.memory_space<hbm>> -> memref<512xi32, #tpu.memory_space<hbm>>
    %dma_wait3A_406 = tpu.memref_slice %arg3[%mul3A_2] : memref<16384xi32, #tpu.memory_space<hbm>> -> memref<512xi32, #tpu.memory_space<hbm>>
    tpu.wait_dma2 semaphore(%arg13 : memref<!tpu.dma_semaphore, #tpu.memory_space<semaphore_mem>>) src(%dma_wait3A_406 : memref<512xi32, #tpu.memory_space<hbm>>) dst(%arg9 : memref<512xi32, #tpu.memory_space<vmem>>)
    %parallel_loop3A = arith.constant 0 : i32
    %parallel_loop3A_407 = arith.constant 512 : i32
    %parallel_loop3A_408 = arith.constant 16 : i32
    scf.for %parallel_loop3A_409 = %parallel_loop3A to %parallel_loop3A_407 step %parallel_loop3A_408  : i32 {
      %parallel_loop3A_410 = arith.index_cast %parallel_loop3A_409 : i32 to index
      %parallel_loop3A_411 = tpu.vector_load %arg8[%parallel_loop3A_410] {strides = array<i32>} : memref<512xi32, #tpu.memory_space<vmem>>, vector<16xi32>,
      %parallel_loop3A_412 = arith.constant 4 : i32
      %parallel_loop3A_413 = vector.broadcast %parallel_loop3A_412 : i32 to vector<16xi32>
      %parallel_loop3A_414 = arith.shli %parallel_loop3A_411, %parallel_loop3A_413 : vector<16xi32>
      %parallel_loop3A_415 = arith.index_cast %parallel_loop3A_409 : i32 to index
      %parallel_loop3A_416 = tpu.vector_load %arg9[%parallel_loop3A_415] {strides = array<i32>} : memref<512xi32, #tpu.memory_space<vmem>>, vector<16xi32>,
      %parallel_loop3A_417 = arith.addi %parallel_loop3A_414, %parallel_loop3A_416 : vector<16xi32>
      %parallel_loop3A_418 = tpu.vector_load_idx %arg12[%parallel_loop3A_417] : memref<160xf32, #tpu.memory_space<vmem>>[vector<16xi32>], vector<16xf32>,
      %parallel_loop3A_419 = arith.index_cast %parallel_loop3A_409 : i32 to index
      %parallel_loop3A_420 = tpu.vector_load %arg10[%parallel_loop3A_419] {strides = array<i32>} : memref<512xf32, #tpu.memory_space<vmem>>, vector<16xf32>,
      tpu.vector_store %arg10[%parallel_loop3A_419], %parallel_loop3A_418 {strides = array<i32>} : memref<512xf32, #tpu.memory_space<vmem>>, vector<16xf32>,
    } {sc.loop_unroll_factor = 8 : i64, sc.parallel_access}
    "tpu.region"() ({
      %run_scoped3A = tpu.sem_alloc : memref<!tpu.dma_semaphore, #tpu.memory_space<semaphore_mem>>
      %dma_start3A_409 = tpu.memref_slice %arg7[%mul3A_2] : memref<16384xf32, #tpu.memory_space<hbm>> -> memref<512xf32, #tpu.memory_space<hbm>>
      %dma_start3A_410 = tpu.memref_slice %arg7[%mul3A_2] : memref<16384xf32, #tpu.memory_space<hbm>> -> memref<512xf32, #tpu.memory_space<hbm>>
      tpu.enqueue_dma source(%arg10 : memref<512xf32, #tpu.memory_space<vmem>>) target(%dma_start3A_410 : memref<512xf32, #tpu.memory_space<hbm>>) target_semaphore(%run_scoped3A : memref<!tpu.dma_semaphore, #tpu.memory_space<semaphore_mem>>)
      %dma_wait3A_411 = tpu.memref_slice %arg7[%mul3A_2] : memref<16384xf32, #tpu.memory_space<hbm>> -> memref<512xf32, #tpu.memory_space<hbm>>
      %dma_wait3A_412 = tpu.memref_slice %arg7[%mul3A_2] : memref<16384xf32, #tpu.memory_space<hbm>> -> memref<512xf32, #tpu.memory_space<hbm>>
      tpu.wait_dma2 semaphore(%run_scoped3A : memref<!tpu.dma_semaphore, #tpu.memory_space<semaphore_mem>>) src(%arg10 : memref<512xf32, #tpu.memory_space<vmem>>) dst(%dma_wait3A_412 : memref<512xf32, #tpu.memory_space<hbm>>)
      tpu.yield
    }) : () -> ()
    return
  }
}

</mosaic_0001>

<sc_bundles>
// kernel: similarity_sc.3.cloned.1.call-start
scs
__scs_entry_jumppad:
0x0: {  	(pc) =	sbr.rel $0x88, $3  }
0x1: {  	(tag) =	ssettag $0x0;
	lr =	simm.s32 $0x1  }
0x2: {  	[smem:$0x3F9C] =	sst lr;
	_ =	strace $0xD0000000  }
0x3: {  	_ = 	snop  }
0x4: {  	_ = 	snop  }
0x5: {  	_ = 	snop  }
0x6: {  	_ = 	snop  }
0x7: {  	_ = 	snop  }
__scs_overlays_trampoline_lowered:
0x8: {  	[smem:$0x3FAB] =	sst s0  }
0x9: {  	[smem:$0x3FAC] =	sst s1  }
0xa: {  	[smem:$0x3FAD] =	sst s2  }
0xb: {  	[smem:$0x3FAE] =	sst s3  }
0xc: {  	[smem:$0x3FAF] =	sst s4  }
0xd: {  	[smem:$0x3FB0] =	sst s5  }
0xe: {  	[smem:$0x3FB1] =	sst s6  }
0xf: {  	[smem:$0x3FB2] =	sst s7  }
0x10: {  	[smem:$0x3FB3] =	sst s8  }
0x11: {  	[smem:$0x3FB4] =	sst s9;
	s0 =	simm.s32 @!p0 $0x0  }
0x12: {  	s1 =	sld [smem:$0x3F9A];
	s0 =	simm.s32 @p0 $0x1  }
0x13: {  	[smem:$0x3FB5] =	sst s0;
	s0 =	simm.s32 @!p1 $0x0  }
0x14: {  	s2 =	sld [smem:$0x3F99];
	s0 =	simm.s32 @p1 $0x1  }
0x15: {  	[smem:$0x3FB6] =	sst s0;
	s0 =	simm.s32 @!p2 $0x0  }
0x16: {  	s3 =	sld [smem:$0x3FDB];
	s0 =	simm.s32 @p2 $0x1  }
0x17: {  	s4 =	simm.s32 $0x1BF5;
	[smem:$0x3FB8] =	sst s0  }
0x18: {  	s0 =	sld [smem:$0x3F9B];
	_ =	swait.ge [sflag:s4], $0x0  }
0x19: {  	s7 =	sld [smem:$0x3F9C]  }
0x1a: {  	s8 =	sadd.s32 $0xFFFFE003, lr  }
0x1b: {  	s9 =	sadd.s32 $0xFFFFFEF7, lr;
	s5 =	simm.s32 $0xFFFFFFFF;
	p2 =	slt.u32 s8, $0xFFFFF086  }
0x1c: {  	p1 =	slt.u32 s9, $0xF7A;
	s5 =	simm.s32 @!p2 $0x0  }
0x1d: {  	s5 =	simm.s32 @p1 $0x1;
	p0 =	seq.s32 s7, s2  }
0x1e: {  	s7 =	smul.u32 @!p0 $0xF7A, s2;
	p2 =	seq.s32 @!p0 s5, $0x0  }
0x1f: {  	s9 =	smul.u32 $0xF7A, s1;
	s8 =	simm.s32 @!p0 $0x1BF5;
	p2 =	por !p2, p0  }
0x20: {  	[sflag:s8] =	ssyncset.s32 @!p0 $0xFFFFF086;
	s6 =	sadd.s32 @!p0 s3, s7;
	s7 =	simm.s32 @!p0 $0x108  }
0x21: {  	s3 =	sadd.s32 s3, s9;
	s6 =	sadd.s32 @!p0 $0x88, s6;
	s7 =	simm.s32 @p2 $0x1082  }
0x22: {  	[simem:s7], [sflag:s8] =	dma.local @!p0 [hbm:s6], $0xF7A  }
0x23: {  	s9 =	sor.u32 $0xD0000000, s2;
	s6 =	simm.s32 $0x108;
	_ =	swait.ge @!p0 [sflag:s8], $0x0  }
0x24: {  	s3 =	sadd.s32 $0x88, s3;
	s6 =	simm.s32 @!p1 $0x1082;
	[sflag:s4] =	ssyncset.s32 $0xFFFFF086  }
0x25: {  	[simem:s6], [sflag:s4] =	dma.local [hbm:s3], $0xF7A  }
0x26: {  	[smem:$0x3F9C] =	sst s1;
	(tag) =	ssettag s2;
	_ =	strace s9  }
0x27: {  	s1 =	sld [smem:$0x3FAC]  }
0x28: {  	s2 =	sld [smem:$0x3FAD]  }
0x29: {  	s4 =	sld [smem:$0x3FAF]  }
0x2a: {  	p0 =	seq.s32 s5, $0x0;
	s5 =	sld [smem:$0x3FB0]  }
0x2b: {  	s6 =	sld [smem:$0x3FB1]  }
0x2c: {  	s7 =	sld [smem:$0x3FB2]  }
0x2d: {  	s3 =	simm.s32 $0x108;
	s8 =	sld [smem:$0x3FB3]  }
0x2e: {  	s3 =	simm.s32 @!p0 $0x1082;
	s9 =	sld [smem:$0x3FB4]  }
0x2f: {  	lr =	sadd.s32 s0, s3;
	s0 =	sld [smem:$0x3FAB]  }
0x30: {  	s3 =	sld [smem:$0x3FAE]  }
0x31: {  	[smem:$0x3FB7] =	sst s10  }
0x32: {  	s10 =	sld [smem:$0x3FB5];
	_ =	sdelay $0x3  }
0x33: {  	p0 =	seq.s32 s10, $0x1;
	s10 =	sld [smem:$0x3FB7];
	_ =	sdelay $0x3  }
0x34: {  	[smem:$0x3FB7] =	sst s10  }
0x35: {  	s10 =	sld [smem:$0x3FB6];
	_ =	sdelay $0x3  }
0x36: {  	p1 =	seq.s32 s10, $0x1;
	s10 =	sld [smem:$0x3FB7];
	_ =	sdelay $0x3  }
0x37: {  	[smem:$0x3FB7] =	sst s10  }
0x38: {  	s10 =	sld [smem:$0x3FB8]  }
0x39: {  	_ = 	snop;
	(pc) =	sbr.ind lr, $3  }
0x3a: {  	_ = 	snop  }
0x3b: {  	_ = 	snop  }
0x3c: {  	p2 =	seq.s32 s10, $0x1;
	s10 =	sld [smem:$0x3FB7]  }
0x3d: {  	_ =	shalt  }
0x3e: {  	_ =	shalt  }
0x3f: {  	_ =	shalt  }
0x40: {  	_ =	shalt  }
0x41: {  	_ =	shalt  }
0x42: {  	_ =	shalt  }
0x43: {  	_ =	shalt  }
0x44: {  	_ =	shalt  }
0x45: {  	_ =	shalt  }
0x46: {  	_ =	shalt  }
0x47: {  	_ =	shalt  }
0x48: {  	_ =	shalt  }
0x49: {  	_ =	shalt  }
0x4a: {  	_ =	shalt  }
0x4b: {  	_ =	shalt  }
0x4c: {  	_ =	shalt  }
0x4d: {  	_ =	shalt  }
0x4e: {  	_ =	shalt  }
0x4f: {  	_ =	shalt  }
0x50: {  	_ =	shalt  }
0x51: {  	_ =	shalt  }
0x52: {  	_ =	shalt  }
0x53: {  	_ =	shalt  }
0x54: {  	_ =	shalt  }
0x55: {  	_ =	shalt  }
0x56: {  	_ =	shalt  }
0x57: {  	_ =	shalt  }
0x58: {  	_ =	shalt  }
0x59: {  	_ =	shalt  }
0x5a: {  	_ =	shalt  }
0x5b: {  	_ =	shalt  }
0x5c: {  	_ =	shalt  }
0x5d: {  	_ =	shalt  }
0x5e: {  	_ =	shalt  }
0x5f: {  	_ =	shalt  }
0x60: {  	_ =	shalt  }
0x61: {  	_ =	shalt  }
0x62: {  	_ =	shalt  }
0x63: {  	_ =	shalt  }
0x64: {  	_ =	shalt  }
0x65: {  	_ =	shalt  }
0x66: {  	_ =	shalt  }
0x67: {  	_ =	shalt  }
0x68: {  	_ =	shalt  }
0x69: {  	_ =	shalt  }
0x6a: {  	_ =	shalt  }
0x6b: {  	_ =	shalt  }
0x6c: {  	_ =	shalt  }
0x6d: {  	_ =	shalt  }
0x6e: {  	_ =	shalt  }
0x6f: {  	_ =	shalt  }
0x70: {  	_ =	shalt  }
0x71: {  	_ =	shalt  }
0x72: {  	_ =	shalt  }
0x73: {  	_ =	shalt  }
0x74: {  	_ =	shalt  }
0x75: {  	_ =	shalt  }
0x76: {  	_ =	shalt  }
0x77: {  	_ =	shalt  }
0x78: {  	_ =	shalt  }
0x79: {  	_ =	shalt  }
0x7a: {  	_ =	shalt  }
0x7b: {  	_ =	shalt  }
0x7c: {  	_ =	shalt  }
0x7d: {  	_ =	shalt  }
0x7e: {  	_ =	shalt  }
0x7f: {  	_ =	shalt  }
0x80: {  	_ =	shalt  }
0x81: {  	_ =	shalt  }
0x82: {  	_ =	shalt  }
0x83: {  	_ =	shalt  }
0x84: {  	_ =	shalt  }
0x85: {  	_ =	shalt  }
0x86: {  	_ =	shalt  }
0x87: {  	_ =	shalt  }
.Lfunc_end0:
.L_simem_size_0:
called_computation_lowered:
.L_overlay_start_0:
0x88: {  	s2 =	sld [smem:$0x3FD9]  }
0x89: {  	s3 =	sld [smem:$0x3FFE];
	_ =	sdelay $0x1  }
0x8a: {  	s1 =	srdreg.scid  }
0x8b: {  	s0 =	sand.u32 $0x1, s1  }
0x8c: {  	s17 =	sshll.u32 s0, $0xA;
	s2 =	sadd.s32 s3, s2  }
0x8d: {  	s2 =	sadd.s32 s2, s17  }
0x8e: {  	[smem:$0x3FC3] =	sst s2  }
0x8f: {  	_ = 	snop  }
0x90: {  	s2 =	sld [smem:$0x3FC9]  }
0x91: {  	s18 =	sld [smem:$0x3FC8]  }
0x92: {  	s4 =	sld [smem:$0x3FC6]  }
0x93: {  	s5 =	sld [smem:$0x3FC5]  }
0x94: {  	s6 =	sld [smem:$0x3FD0];
	(tm) =	ssettm $0x1  }
0x95: {  	s7 =	sld [smem:$0x3FFB];
	_ =	sdelay $0x3  }
0x96: {  	_ =	strace s7  }
0x97: {  	s7 =	sld [smem:$0x3FFC];
	_ =	sdelay $0x3  }
0x98: {  	_ =	strace s7  }
0x99: {  	s7 =	sld [smem:$0x3FFD];
	_ =	sdelay $0x3  }
0x9a: {  	_ =	strace s7  }
0x9b: {  	_ =	strace $0x8FFFFFFF  }
0x9c: {  	s19 =	sld [smem:$0x3FDB];
	_ =	sdelay $0x1  }
0x9d: {  	s8 =	simm.s32 $_scs_section_size  }
0x9e: {  	s9 =	simm.s32 $_size__tile_overlayer_lowered;
	s10 =	simm.s32 $_tile_overlayer_lowered  }
0x9f: {  	s22 =	simm.s32 $0x1BFF;
	s21 =	sshll.u32 s10, $0x1;
	s7 =	sadd.s32 s8, s19  }
0xa0: {  	s11 =	simm.s32 $0x0;
	s20 =	sshll.u32 s9, $0x1;
	s9 =	sadd.s32 s21, s7  }
0xa1: {  	[timem:s11], [sflag:s22] =	dma.local [hbm:s9], s20  }
0xa2: {  	_ =	swait.ge [sflag:s22], s20  }
0xa3: {  	s8 =	ssub.s32 $0x0, s20;
	[sflag:s22] =	ssyncset.done $0x0  }
0xa4: {  	[sflag:s22] =	ssyncadd.s32 s8;
	_ =	sdelay $0x1  }
0xa5: {  	s23 =	simm.s32 $0x1B8B  }
0xa6: {  	_ =	swait.ge [sflag:s23], $0x1  }
0xa7: {  	[sflag:s23] =	ssyncset.done $0x0  }
0xa8: {  	s25 =	simm.s32 $0x1B8E;
	s24 =	sld [smem:$0x3FFE];
	[sflag:s23] =	ssyncadd.s32 $0xFFFFFFFF  }
0xa9: {  	s26 =	simm.s32 $execute0_lowered;
	[smem:$0x3FD2] =	sst s25  }
0xaa: {  	s9 =	sshll.u32 s26, $0x1;
	_ =	strace $0x80000046;
	[dreg:$0x1] =	wrdreg $0xFFFFFFFF  }
0xab: {  	s28 =	simm.s32 $_size_execute0_lowered;
	s7 =	sadd.s32 s7, s9;
	[dreg:$0x0] =	wrdreg $0x0  }
0xac: {  	s9 =	sshll.u32 s28, $0x1;
	[dreg:$0x2] =	wrdreg s7  }
0xad: {  	[dreg:$0x3] =	wrdreg s9  }
0xae: {  	[dreg:$0x4] =	wrdreg $0xC0  }
0xaf: {  	_ =	task [dreg:s11], $0x5FFFF  }
0xb0: {  	[dreg:$0x1] =	wrdreg $0xFFFFFFFF  }
0xb1: {  	[dreg:$0x0] =	wrdreg $0x60  }
0xb2: {  	[dreg:$0x2] =	wrdreg s2  }
0xb3: {  	[dreg:$0x3] =	wrdreg s18  }
0xb4: {  	[dreg:$0x4] =	wrdreg s24  }
0xb5: {  	[dreg:$0x5] =	wrdreg s4  }
0xb6: {  	[dreg:$0x6] =	wrdreg s5  }
0xb7: {  	[dreg:$0x7] =	wrdreg s6  }
0xb8: {  	[dreg:$0x8] =	wrdreg $0x9  }
0xb9: {  	_ =	task.clear_ibuf [dreg:s11], $0x9FFFF;
	_ =	strace $0x90000046  }
0xba: {  	s29 =	simm.s32 $0x9;
	_ =	strace $0x80000048  }
0xbb: {  	_ =	swait.ge [sflag:s29], $0x1  }
0xbc: {  	[sflag:s29] =	ssyncadd.s32 $0xFFFFFFFF  }
0xbd: {  	_ =	strace $0x90000048  }
0xbe: {  	_ =	sfence  }
0xbf: {  	s30 =	sld [smem:$0x0];
	_ =	sdelay $0x2  }
0xc0: {  	s31 =	sshll.u32 s1, $0xD;
	s1 =	sshrl.u32 s1, $0x2  }
0xc1: {  	s3 =	sand.u32 $0x4000, s31;
	s1 =	sadd.s32 s1, s30  }
0xc2: {  	s0 =	sor.u32 s3, s0;
	s1 =	sshll.u32 s1, $0x11  }
0xc3: {  	s0 =	sor.u32 s1, s0  }
0xc4: {  	s0 =	sadd.s32 $0x8F2B, s0  }
0xc5: {  	[sflag:s0] =	ssyncadd.remote.s32 $0x1  }
0xc6: {  	_ =	sfence.sel $0xFFFF  }
0xc7: {  	[dreg:$0x0] =	wrdreg $0xFFFFFFFF;
	(pc) =	sbr.abs _section_cstart, $3  }
0xc8: {  	[dreg:$0x1] =	wrdreg $0xFFFFFFFF  }
0xc9: {  	_ =	task.clear_ibuf [dreg:s11], $0x2FFFF;
	_ =	strace $0x9FFFFFFF  }
0xca: {  	(tm) =	ssettm $0x7FFFFFFF  }
0xcb: {  	_ =	shalt  }
tec
execute0_lowered:
.L_overlay_start_1:
0x0: {  	(tag) =	ssettag $0x1  }
0x1: {  	s6 =	rddreg [dreg:$0x0]  }
0x2: {  	s7 =	rddreg [dreg:$0x1]  }
0x3: {  	v0 =	vimm.s32 $0xC080400;
	s5 =	rddreg [dreg:$0x2];
	vm0 =	vcmask $0xF00  }
0x4: {  	s0 =	rddreg [dreg:$0x3];
	v2 =	vimm.s32 $0x1C181410;
	v3 =	vimm.s32 $0xD090501;
	vm1 =	vcmask $0x1F10  }
0x5: {  	s1 =	rddreg [dreg:$0x4];
	v4 =	vimm.s32 $0x1D191511;
	vm2 =	vcmask $0x2320;
	v6 =	vimm.s32 $0x1E1A1612  }
0x6: {  	s8 =	rddreg [dreg:$0x5];
	v7 =	vimm.s32 $0xF0B0703;
	v8 =	vimm.s32 $0x1F1B1713;
	v11 =	vimm.s32 $0x3  }
0x7: {  	s2 =	rddreg [dreg:$0x6];
	v12 =	vimm.s32 $0x7;
	v13 =	vimm.s32 $0x9;
	v1 =	vunpack.c.0.s8.s32 v0  }
0x8: {  	s3 =	simm.s32 $0x0;
	s9 =	srdreg.scid;
	s4 =	stileid.u32;
	v0 =	vimm.s32 $0x8;
	v2 =	vunpack.c.0.s8.s32 v2;
	v3 =	vunpack.c.0.s8.s32 v3  }
0x9: {  	s13 =	simm.s32 $0x630;
	s14 =	simm.s32 $0x2;
	s15 =	simm.s32 $0x1;
	v4 =	vunpack.c.0.s8.s32 v4;
	v6 =	vunpack.c.0.s8.s32 v6;
	v7 =	vunpack.c.0.s8.s32 v7  }
0xa: {  	s16 =	simm.s32 $0x680;
	s17 =	simm.s32 $0x400;
	s18 =	simm.s32 $0x3;
	v8 =	vunpack.c.0.s8.s32 v8;
	v1 =	vnsel vm0, $0x24, v1;
	v5 =	vnsel vm0, $0x25, v3  }
0xb: {  	s19 =	simm.s32 $0x0;
	[smem:$0x7FF] =	sst s3;
	s9 =	sand.u32 $0x1, s9;
	v3 =	vimm.s32 $0x4;
	v4 =	vsel vm1, v4, v5;
	v5 =	vimm.s32 $0xE0A0602  }
0xc: {  	s11 =	sshll.u32 s4, $0x7;
	s5 =	sadd.s32 $0x400, s5;
	s10 =	ssub.s32 $0x2, s9;
	v10 =	vnsel vm0, $0x27, v7;
	v1 =	vsel vm1, v2, v1;
	v5 =	vunpack.c.0.s8.s32 v5  }
0xd: {  	_ =	strace $0x80000047;
	s9 =	sshll.u32 s9, $0x6;
	s12 =	sshrl.u32 s10, $0x1;
	v2 =	vimm.s32 $0x0;
	v10 =	vsel vm1, v8, v10;
	v8 =	vimm.s32 $0x2  }
0xe: {  	s9 =	sor.u32 s9, s11;
	s11 =	simm.s32 $0x600;
	s10 =	ssub.s32 s10, s12;
	v1 =	vsel vm2, $0x20, v1;
	v4 =	vsel vm2, $0x21, v4;
	v9 =	vnsel vm0, $0x26, v5  }
0xf: {  	s6 =	sadd.s32 s6, s9;
	s7 =	sadd.s32 s7, s9;
	s8 =	sadd.s32 s8, s9;
	v10 =	vsel vm2, $0x23, v10;
	v5 =	vimm.s32 $0x1;
	v9 =	vsel vm1, v6, v9  }
0x10: {  	s12 =	simm.s32 $0x628;
	s9 =	smax.u32 s10, $0x1;
	s10 =	simm.s32 $0x200;
	v6 =	vimm.s32 $0x5;
	v7 =	vsel vm2, $0x22, v9;
	v9 =	vimm.s32 $0x6  }
.LBB2_1:
0x11: {  	[tilespmem:s3], [sflag:$0x1] =	stream.linear.gather [hbm4b:s6+s3], $0x200, $0x38;
	[tilespmem:$0x780] =	vst v63  }
0x12: {  	_ = 	snop  }
0x13: {  	[tilespmem:s10], [sflag:$0x1] =	stream.linear.gather [hbm4b:s7+s3], $0x200, $0x38;
	[tilespmem:$0x780] =	vst v63  }
0x14: {  	_ = 	snop  }
0x15: {  	[tilespmem:s11], [sflag:$0x2] =	stream.linear.gather [hbm4b:s5+s3], $0x28, $0x38;
	[tilespmem:$0x780] =	vst v63  }
0x16: {  	_ = 	snop  }
0x17: {  	[tilespmem:s12], [sflag:$0x2] =	stream.linear.gather [hbm4b:s0+s3], $0x8, $0x38;
	[tilespmem:$0x780] =	vst v63  }
0x18: {  	_ = 	snop  }
0x19: {  	[tilespmem:s13], [sflag:$0x2] =	stream.linear.gather [hbm4b:s1+s3], $0x1, $0x38;
	[tilespmem:$0x780] =	vst v63  }
0x1a: {  	_ =	swait.ge [sflag:s14], $0x28  }
0x1b: {  	[sflag:s14] =	ssyncset.done $0x0  }
0x1c: {  	[sflag:s14] =	ssyncadd.s32 $0xFFFFFFD8  }
0x1d: {  	_ =	swait.ge [sflag:s14], $0x8  }
0x1e: {  	[sflag:s14] =	ssyncset.done $0x0  }
0x1f: {  	[sflag:s14] =	ssyncadd.s32 $0xFFFFFFF8  }
0x20: {  	_ =	swait.ge [sflag:s14], $0x1  }
0x21: {  	[sflag:s14] =	ssyncset.done $0x0  }
0x22: {  	[sflag:s14] =	ssyncadd.s32 $0xFFFFFFFF  }
0x23: {  	v14 =	vld [tilespmem:$0x628];
	_ =	sdelay $0x1  }
0x24: {  	v15 =	vld.idx.msk [tilespmem:v1+s11+$0x0], $0xffff;
	_ =	sdelay $0x1  }
0x25: {  	v16 =	vld.idx.msk [tilespmem:v4+s11+$0x0], $0xffff  }
0x26: {  	v17 =	vperm.xlane v14, v2  }
0x27: {  	v20 =	vld.idx.msk [tilespmem:v7+s11+$0x0], $0xffff;
	v18 =	vperm.xlane v14, v0;
	v19 =	vperm.xlane v14, v3  }
0x28: {  	v21 =	vperm.xlane v14, v5;
	v17 =	vmul.f32 v17, v15  }
0x29: {  	v22 =	vld.idx.msk [tilespmem:v10+s11+$0x0], $0xffff;
	v15 =	vmul.f32 v19, v15;
	v19 =	vperm.xlane v14, v6  }
0x2a: {  	v17 =	vadd.f32 v17, v18;
	v18 =	vmul.f32 v21, v16;
	v21 =	vperm.xlane v14, v8  }
0x2b: {  	v15 =	vadd.f32 $0.0e+00, v15;
	v16 =	vmul.f32 v19, v16;
	v19 =	vperm.xlane v14, v9  }
0x2c: {  	v17 =	vadd.f32 v18, v17;
	v18 =	vmul.f32 v21, v20;
	v21 =	vperm.xlane v14, v11  }
0x2d: {  	v15 =	vadd.f32 v16, v15;
	v16 =	vmul.f32 v19, v20  }
0x2e: {  	v14 =	vperm.xlane v14, v12;
	v17 =	vadd.f32 v18, v17;
	v18 =	vmul.f32 v21, v22;
	_ =	sdelay $0x1  }
0x2f: {  	v15 =	vadd.f32 v16, v15;
	v14 =	vmul.f32 v14, v22;
	v16 =	vadd.f32 v18, v17;
	_ =	sdelay $0x1  }
0x30: {  	v14 =	vadd.f32 v14, v15;
	v15 =	vsub.f32 $0.0e+00, v16;
	_ =	sdelay $0x1  }
0x31: {  	v14 =	vsub.f32 $0.0e+00, v14;
	v16 =	vperm.xlane v15, v2;
	_ =	sdelay $0x1  }
0x32: {  	v16 =	vadd.f32 v14, v16;
	_ =	sdelay $0x1  }
0x33: {  	v16 =	vmul.f32 $1.442695020e+00, v16;
	_ =	sdelay $0x1  }
0x34: {  	(erf) = vpow2.f32 v16;
	_ =	sdelay $0x6  }
0x35: {  	v16 =	vperm.xlane v15, v5;
	_ =	sdelay $0x1  }
0x36: {  	v16 =	vadd.f32 v14, v16;
	v17 =	vpop (erf)  }
0x37: {  	v17 =	vadd.f32 $1.000000000e+00, v17  }
0x38: {  	v16 =	vmul.f32 $1.442695020e+00, v16  }
0x39: {  	(erf) = vrcp.f32 v17  }
0x3a: {  	(erf) = vpow2.f32 v16;
	_ =	sdelay $0x6  }
0x3b: {  	v16 =	vperm.xlane v15, v8  }
0x3c: {  	v17 =	vpop (erf)  }
0x3d: {  	v16 =	vadd.f32 v16, v14;
	v18 =	vpop (erf)  }
0x3e: {  	v18 =	vadd.f32 $1.000000000e+00, v18  }
0x3f: {  	v16 =	vmul.f32 $1.442695020e+00, v16  }
0x40: {  	(erf) = vrcp.f32 v18  }
0x41: {  	(erf) = vpow2.f32 v16;
	_ =	sdelay $0x6  }
0x42: {  	v16 =	vperm.xlane v15, v11  }
0x43: {  	v18 =	vpop (erf)  }
0x44: {  	v16 =	vadd.f32 v16, v14;
	v19 =	vpop (erf)  }
0x45: {  	v19 =	vadd.f32 $1.000000000e+00, v19  }
0x46: {  	v16 =	vmul.f32 $1.442695020e+00, v16  }
0x47: {  	(erf) = vrcp.f32 v19  }
0x48: {  	(erf) = vpow2.f32 v16;
	_ =	sdelay $0x6  }
0x49: {  	v16 =	vperm.xlane v15, v3  }
0x4a: {  	v19 =	vpop (erf)  }
0x4b: {  	v16 =	vadd.f32 v16, v14;
	v20 =	vpop (erf)  }
0x4c: {  	v20 =	vadd.f32 $1.000000000e+00, v20  }
0x4d: {  	v16 =	vmul.f32 $1.442695020e+00, v16  }
0x4e: {  	(erf) = vrcp.f32 v20  }
0x4f: {  	(erf) = vpow2.f32 v16;
	_ =	sdelay $0x6  }
0x50: {  	v16 =	vperm.xlane v15, v6  }
0x51: {  	v20 =	vpop (erf)  }
0x52: {  	v16 =	vadd.f32 v16, v14;
	v21 =	vpop (erf)  }
0x53: {  	v21 =	vadd.f32 $1.000000000e+00, v21  }
0x54: {  	v16 =	vmul.f32 $1.442695020e+00, v16  }
0x55: {  	(erf) = vrcp.f32 v21  }
0x56: {  	(erf) = vpow2.f32 v16;
	_ =	sdelay $0x6  }
0x57: {  	v16 =	vperm.xlane v15, v9  }
0x58: {  	v21 =	vpop (erf)  }
0x59: {  	v16 =	vadd.f32 v16, v14;
	v22 =	vpop (erf)  }
0x5a: {  	v22 =	vadd.f32 $1.000000000e+00, v22  }
0x5b: {  	v16 =	vmul.f32 $1.442695020e+00, v16  }
0x5c: {  	(erf) = vrcp.f32 v22  }
0x5d: {  	(erf) = vpow2.f32 v16;
	_ =	sdelay $0x6  }
0x5e: {  	v16 =	vperm.xlane v15, v12  }
0x5f: {  	v22 =	vpop (erf)  }
0x60: {  	v16 =	vadd.f32 v16, v14;
	v23 =	vpop (erf)  }
0x61: {  	v23 =	vadd.f32 $1.000000000e+00, v23  }
0x62: {  	v16 =	vmul.f32 $1.442695020e+00, v16  }
0x63: {  	(erf) = vrcp.f32 v23  }
0x64: {  	(erf) = vpow2.f32 v16;
	_ =	sdelay $0x6  }
0x65: {  	v16 =	vperm.xlane v15, v0  }
0x66: {  	v23 =	vpop (erf)  }
0x67: {  	v16 =	vadd.f32 v16, v14;
	v24 =	vpop (erf)  }
0x68: {  	v24 =	vadd.f32 $1.000000000e+00, v24  }
0x69: {  	v16 =	vmul.f32 $1.442695020e+00, v16  }
0x6a: {  	(erf) = vrcp.f32 v24  }
0x6b: {  	(erf) = vpow2.f32 v16;
	_ =	sdelay $0x6  }
0x6c: {  	v15 =	vperm.xlane v15, v13  }
0x6d: {  	v16 =	vpop (erf)  }
0x6e: {  	v14 =	vadd.f32 v15, v14;
	v55 =	vpop (erf)  }
0x6f: {  	v15 =	vadd.f32 $1.000000000e+00, v55  }
0x70: {  	v14 =	vmul.f32 $1.442695020e+00, v14  }
0x71: {  	(erf) = vrcp.f32 v15  }
0x72: {  	(erf) = vpow2.f32 v14;
	_ =	sdelay $0x7  }
0x73: {  	v14 =	vpop (erf)  }
0x74: {  	v15 =	vpop (erf)  }
0x75: {  	v15 =	vadd.f32 $1.000000000e+00, v15;
	_ =	sdelay $0x1  }
0x76: {  	(erf) = vrcp.f32 v15  }
0x77: {  	[tilespmem:$0x680] =	vst v17  }
0x78: {  	[tilespmem:$0x690] =	vst v18  }
0x79: {  	[tilespmem:$0x6A0] =	vst v19  }
0x7a: {  	[tilespmem:$0x6B0] =	vst v20  }
0x7b: {  	[tilespmem:$0x6C0] =	vst v21  }
0x7c: {  	[tilespmem:$0x6D0] =	vst v22  }
0x7d: {  	[tilespmem:$0x6E0] =	vst v23  }
0x7e: {  	[tilespmem:$0x6F0] =	vst v16  }
0x7f: {  	[tilespmem:$0x700] =	vst v14;
	v14 =	vpop (erf)  }
0x80: {  	[tilespmem:$0x710] =	vst v14  }
0x81: {  	_ =	swait.ge [sflag:s15], $0x200  }
0x82: {  	[sflag:s15] =	ssyncset.done $0x0  }
0x83: {  	[sflag:s15] =	ssyncadd.s32 $0xFFFFFE00  }
0x84: {  	_ =	swait.ge [sflag:s15], $0x200  }
0x85: {  	[sflag:s15] =	ssyncset.done $0x0  }
0x86: {  	s20 =	simm.s32 $0x40;
	[sflag:s15] =	ssyncadd.s32 $0xFFFFFE00  }
0x87: {  	s21 =	simm.s32 $0x240;
	v14 =	vld [tilespmem:s20+$0x30]  }
0x88: {  	v15 =	vld [tilespmem:s21+$0x30]  }
0x89: {  	v16 =	vld [tilespmem:s20+$0xFFFFFFD0]  }
0x8a: {  	v17 =	vld [tilespmem:s20+$0xFFFFFFE0]  }
0x8b: {  	v18 =	vld [tilespmem:s20+$0xFFFFFFF0]  }
0x8c: {  	v19 =	vld [tilespmem:s20+$0x0]  }
0x8d: {  	v20 =	vld [tilespmem:s20+$0xFFFFFFC0]  }
0x8e: {  	v21 =	vld [tilespmem:s21+$0xFFFFFFC0]  }
0x8f: {  	v22 =	vld [tilespmem:s21+$0xFFFFFFE0]  }
0x90: {  	v23 =	vld [tilespmem:s21+$0xFFFFFFF0]  }
0x91: {  	v56 =	vld [tilespmem:s20+$0x10]  }
0x92: {  	s31 =	simm.s32 $0xC0;
	v25 =	vld [tilespmem:s20+$0x20]  }
0x93: {  	v27 =	vld [tilespmem:s31+$0xFFFFFFD0]  }
0x94: {  	v28 =	vld [tilespmem:s31+$0xFFFFFFE0]  }
0x95: {  	v29 =	vld [tilespmem:s31+$0xFFFFFFF0]  }
0x96: {  	v30 =	vld [tilespmem:s31+$0x0];
	v14 =	vshll.u32 v14, $0x4  }
0x97: {  	v17 =	vshll.u32 v17, $0x4;
	v14 =	vadd.s32 v15, v14;
	v15 =	vld [tilespmem:s21+$0xFFFFFFD0]  }
0x98: {  	v31 =	vld [tilespmem:s31+$0x10];
	v17 =	vadd.s32 v22, v17  }
0x99: {  	v57 =	vld [tilespmem:s31+$0x20]  }
0x9a: {  	s20 =	simm.s32 $0x2C0;
	v32 =	vld [tilespmem:s31+$0xFFFFFFC0]  }
0x9b: {  	v26 =	vld [tilespmem:s20+$0x30];
	v16 =	vshll.u32 v16, $0x4  }
0x9c: {  	v33 =	vld [tilespmem:s20+$0xFFFFFFC0];
	v15 =	vadd.s32 v15, v16;
	v16 =	vshll.u32 v18, $0x4  }
0x9d: {  	v16 =	vadd.s32 v23, v16;
	v23 =	vld.idx.msk [tilespmem:v17+s16+$0x0], $0xffff  }
0x9e: {  	v17 =	vld [tilespmem:s31+$0x30]  }
0x9f: {  	v34 =	vld [tilespmem:s20+$0xFFFFFFD0]  }
0xa0: {  	v58 =	vld [tilespmem:s20+$0xFFFFFFF0]  }
0xa1: {  	v59 =	vld [tilespmem:s20+$0x0];
	v20 =	vshll.u32 v20, $0x4  }
0xa2: {  	v60 =	vld [tilespmem:s20+$0x10];
	v20 =	vadd.s32 v21, v20  }
0xa3: {  	v18 =	vld [tilespmem:s21+$0x0];
	v17 =	vshll.u32 v17, $0x4  }
0xa4: {  	v22 =	vld [tilespmem:s21+$0x20];
	v17 =	vadd.s32 v26, v17  }
0xa5: {  	v21 =	vld [tilespmem:s21+$0x10]  }
0xa6: {  	v14 =	vld.idx.msk [tilespmem:v14+s16+$0x0], $0xffff  }
0xa7: {  	v19 =	vshll.u32 v19, $0x4;
	v20 =	vld.idx.msk [tilespmem:v20+s16+$0x0], $0xffff  }
0xa8: {  	v25 =	vshll.u32 v25, $0x4;
	v18 =	vadd.s32 v18, v19;
	v19 =	vld [tilespmem:s20+$0xFFFFFFE0]  }
0xa9: {  	v22 =	vadd.s32 v22, v25;
	v35 =	vld.idx.msk [tilespmem:v17+s16+$0x0], $0xffff;
	v17 =	vshll.u32 v56, $0x4  }
0xaa: {  	v62 =	vld [tilespmem:s20+$0x20];
	v17 =	vadd.s32 v21, v17;
	v21 =	vshll.u32 v32, $0x4  }
0xab: {  	v27 =	vshll.u32 v27, $0x4;
	v15 =	vld.idx.msk [tilespmem:v15+s16+$0x0], $0xffff;
	v21 =	vadd.s32 v33, v21  }
0xac: {  	v61 =	vshll.u32 v28, $0x4;
	v27 =	vadd.s32 v34, v27;
	s21 =	simm.s32 $0x440;
	v16 =	vld.idx.msk [tilespmem:v16+s16+$0x0], $0xffff  }
0xad: {  	[tilespmem:s21+$0x30] =	vst v14;
	v14 =	vadd.s32 v19, v61;
	v19 =	vshll.u32 v29, $0x4;
	v63 =	vld.idx.msk [tilespmem:v18+s16+$0x0], $0xffff  }
0xae: {  	[tilespmem:s21+$0xFFFFFFC0] =	vst v20;
	v20 =	vld.idx.msk [tilespmem:v22+s16+$0x0], $0xffff;
	v24 =	vadd.s32 v58, v19  }
0xaf: {  	[tilespmem:s21+$0xFFFFFFE0] =	vst v23;
	v19 =	vld.idx.msk [tilespmem:v17+s16+$0x0], $0xffff  }
0xb0: {  	[tilespmem:s21+$0xFFFFFFD0] =	vst v15;
	v17 =	vld.idx.msk [tilespmem:v21+s16+$0x0], $0xffff  }
0xb1: {  	v18 =	vld.idx.msk [tilespmem:v27+s16+$0x0], $0xffff;
	v15 =	vshll.u32 v30, $0x4;
	[tilespmem:s21+$0xFFFFFFF0] =	vst v16  }
0xb2: {  	s22 =	simm.s32 $0x4C0;
	v22 =	vshll.u32 v57, $0x4;
	v16 =	vshll.u32 v31, $0x4;
	v15 =	vadd.s32 v59, v15;
	[tilespmem:s21+$0x0] =	vst v63;
	v21 =	vld.idx.msk [tilespmem:v14+s16+$0x0], $0xffff  }
0xb3: {  	s23 =	simm.s32 $0x80;
	s24 =	simm.s32 $0x140;
	v16 =	vadd.s32 v60, v16;
	[tilespmem:s22+$0x30] =	vst v35;
	v14 =	vadd.s32 v62, v22;
	v22 =	vld.idx.msk [tilespmem:v24+s16+$0x0], $0xffff  }
.LBB2_2:
0xb4: {  	v23 =	vld [tilespmem:s24+$0x30];
	s23 =	sadd.s32 $0x80, s23;
	s20 =	sadd.s32 $0x80, s20;
	[tilespmem:s21+$0x10] =	vst v19  }
0xb5: {  	v19 =	vld [tilespmem:s20+$0x30];
	p0 =	slt.u32 s23, $0x180;
	[tilespmem:s22+$0xFFFFFFC0] =	vst v17  }
0xb6: {  	v17 =	vld [tilespmem:s24+$0xFFFFFFD0];
	[tilespmem:s22+$0xFFFFFFD0] =	vst v18  }
0xb7: {  	v18 =	vld [tilespmem:s24+$0xFFFFFFE0];
	[tilespmem:s21+$0x20] =	vst v20;
	s21 =	smov.u32 s22  }
0xb8: {  	v20 =	vld [tilespmem:s24+$0xFFFFFFF0];
	[tilespmem:s22+$0xFFFFFFE0] =	vst v21  }
0xb9: {  	v21 =	vld [tilespmem:s24+$0x0];
	v23 =	vshll.u32 v23, $0x4;
	[tilespmem:s22+$0xFFFFFFF0] =	vst v22  }
0xba: {  	v22 =	vld [tilespmem:s24+$0x10];
	v19 =	vadd.s32 v19, v23  }
0xbb: {  	v17 =	vshll.u32 v17, $0x4;
	v23 =	vld [tilespmem:s24+$0x20]  }
0xbc: {  	v24 =	vld [tilespmem:s24+$0xFFFFFFC0];
	v18 =	vshll.u32 v18, $0x4  }
0xbd: {  	v25 =	vld [tilespmem:s20+$0xFFFFFFC0];
	v20 =	vshll.u32 v20, $0x4  }
0xbe: {  	v26 =	vld [tilespmem:s20+$0xFFFFFFD0];
	v21 =	vshll.u32 v21, $0x4  }
0xbf: {  	v22 =	vshll.u32 v22, $0x4;
	v19 =	vld.idx.msk [tilespmem:v19+s16+$0x0], $0xffff  }
0xc0: {  	v27 =	vld [tilespmem:s20+$0xFFFFFFE0];
	v23 =	vshll.u32 v23, $0x4  }
0xc1: {  	v24 =	vshll.u32 v24, $0x4;
	v28 =	vld [tilespmem:s20+$0xFFFFFFF0]  }
0xc2: {  	v24 =	vadd.s32 v25, v24;
	v25 =	vld [tilespmem:s20+$0x0]  }
0xc3: {  	v26 =	vadd.s32 v26, v17;
	v29 =	vld [tilespmem:s20+$0x10]  }
0xc4: {  	s22 =	sadd.s32 $0x80, s22;
	v30 =	vld [tilespmem:s20+$0x20]  }
0xc5: {  	v27 =	vadd.s32 v27, v18;
	[tilespmem:s22+$0x30] =	vst v19;
	v31 =	vld.idx.msk [tilespmem:v15+s16+$0x0], $0xffff  }
0xc6: {  	v28 =	vadd.s32 v28, v20;
	v19 =	vld.idx.msk [tilespmem:v16+s16+$0x0], $0xffff  }
.Ltmp0:
0xc7: {  	v17 =	vld.idx.msk [tilespmem:v24+s16+$0x0], $0xffff;
	v15 =	vadd.s32 v25, v21;
	(pc) =	sbr.rel @p0 .LBB2_2-.Ltmp0, $4  }
0xc8: {  	v18 =	vld.idx.msk [tilespmem:v26+s16+$0x0], $0xffff;
	v16 =	vadd.s32 v29, v22  }
0xc9: {  	v20 =	vld.idx.msk [tilespmem:v14+s16+$0x0], $0xffff;
	v14 =	vadd.s32 v30, v23  }
0xca: {  	v21 =	vld.idx.msk [tilespmem:v27+s16+$0x0], $0xffff  }
0xcb: {  	s24 =	sadd.s32 $0x80, s24;
	v22 =	vld.idx.msk [tilespmem:v28+s16+$0x0], $0xffff;
	[tilespmem:s21+$0x0] =	vst v31  }
0xcc: {  	_ =	sdelay $0x2  }
0xcd: {  	[tilespmem:s21+$0x10] =	vst v19  }
0xce: {  	[tilespmem:s22+$0xFFFFFFC0] =	vst v17;
	v15 =	vld.idx.msk [tilespmem:v15+s16+$0x0], $0xffff  }
0xcf: {  	v16 =	vld.idx.msk [tilespmem:v16+s16+$0x0], $0xffff;
	[tilespmem:s22+$0xFFFFFFD0] =	vst v18  }
0xd0: {  	v14 =	vld.idx.msk [tilespmem:v14+s16+$0x0], $0xffff;
	[tilespmem:s21+$0x20] =	vst v20  }
0xd1: {  	[tilespmem:s22+$0xFFFFFFE0] =	vst v21  }
0xd2: {  	[tilespmem:s22+$0xFFFFFFF0] =	vst v22  }
0xd3: {  	s19 =	sadd.s32 $0x1, s19;
	[tilespmem:s22+$0x0] =	vst v15  }
0xd4: {  	p0 =	sne.s32 s19, s9;
	[tilespmem:s22+$0x10] =	vst v16  }
.Ltmp1:
0xd5: {  	[tilespmem:s22+$0x20] =	vst v14;
	(pc) =	sbr.rel @p0 .LBB2_1-.Ltmp1, $4  }
0xd6: {  	[hbm4b:s8+s3] =	stream.linear.scatter [tilespmem:s17], [sflag:$0x3], $0x200, $0x38;
	[tilespmem:$0x780] =	vst v63  }
0xd7: {  	_ =	swait.ge [sflag:s18], $0x200  }
0xd8: {  	[sflag:s18] =	ssyncset.done $0x0  }
0xd9: {  	[sflag:s18] =	ssyncadd.s32 $0xFFFFFE00  }
0xda: {  	_ =	sfence.sel $0x180000  }
0xdb: {  	[bflag:$0x0] =	sbarrier.arrive $0xFFFF  }
0xdc: {  	p0 =	sne.s32 s4, $0x0;
	_ =	strace $0x90000047  }
0xdd: {  	s0 =	sadd.s32 @!p0 $0x100000, s2;
	[bflag:$0x2] =	sbarrier.arrive $0xFFFF  }
0xde: {  	[sflag:s0] =	ssyncadd.tile.s32 @!p0 $0x1;
	_ =	shalt  }
.Lfunc_end2:
_tile_overlayer_lowered:
.L_overlay_start_2:
0xdf: {  	(tag) =	ssettag $0x2  }
0xe0: {  	s0 =	rddreg [dreg:$0x0];
	s2 =	stileid.u32  }
0xe1: {  	s1 =	rddreg [dreg:$0x1];
	p0 =	sne.s32 s2, $0x0  }
0xe2: {  	s3 =	rddreg [dreg:$0x2];
	[bflag:$0x3] =	sbarrier.arrive $0xFFFF;
	s2 =	simm.s32 @!p0 $0x1C03  }
0xe3: {  	[timem:s3], [sflag:s2] =	dma.local @!p0 [hbm:s0], s1  }
0xe4: {  	s0 =	simm.s32 @!p0 $0x3  }
0xe5: {  	_ =	swait.ge @!p0 [sflag:s0], s1  }
0xe6: {  	s1 =	ssub.s32 @!p0 $0x0, s1;
	[sflag:s0] =	ssyncset.done @!p0 $0x0  }
0xe7: {  	[sflag:s0] =	ssyncadd.s32 @!p0 s1  }
0xe8: {  	[bflag:$0x3] =	sbarrier.arrive $0xFFFF  }
0xe9: {  	_ =	shalt  }

</sc_bundles>
